<compile_context>
chip_gen: v7x
topology: tpu7x:2x2x1
jax: 0.10.2.dev20260603
libtpu: 0.0.44.dev20260713+nightly
codegen_flags: <defaults>
</compile_context>

<pallas_src>
import functools

import jax
import jax.numpy as jnp
from jax import lax
from jax.experimental import pallas as pl
from jax.experimental.pallas import tpu as pltpu
from jax.experimental.pallas import tpu_sc as plsc

NC = 2
NS = 16
NW = NC * NS
CH = 128
UN = 2



@functools.lru_cache(maxsize=None)
def _make_seg_sum(n_pad: int, w: int, e_pad: int):
  assert e_pad % (CH * NW * UN) == 0 and n_pad % (NS * 8) == 0
  rows_per_tile = n_pad // NS
  j_max = e_pad // (CH * NW)

  mesh = plsc.VectorSubcoreMesh(
      core_axis_name="c", subcore_axis_name="s",
      num_cores=NC, num_subcores=NS)

  def body(p_hbm, src_hbm, dst_hbm, z_hbm, g_out, acc_sh, *bufs):
    src_vs = bufs[0 * UN:1 * UN]
    dst_vs = bufs[1 * UN:2 * UN]
    rows_vs = bufs[2 * UN:3 * UN]
    isems = bufs[3 * UN:4 * UN]
    dsems = bufs[4 * UN:5 * UN]
    gsems = bufs[5 * UN:6 * UN]
    cid = lax.axis_index("c")
    sid = lax.axis_index("s")
    wid = sid * NC + cid
    base = sid * rows_per_tile

    def fire_idx(j0):
      for b in range(UN):
        off = (wid + (j0 + b) * NW) * CH
        pltpu.async_copy(src_hbm.at[pl.ds(off, CH)], src_vs[b], isems[b])
        pltpu.async_copy(dst_hbm.at[pl.ds(off, CH)], dst_vs[b], dsems[b])

    def wait_idx(b):
      pltpu.make_async_copy(src_hbm.at[pl.ds(0, CH)], src_vs[b],
                            isems[b]).wait()
      pltpu.make_async_copy(dst_hbm.at[pl.ds(0, CH)], dst_vs[b],
                            dsems[b]).wait()

    fire_idx(0)
    pltpu.sync_copy(z_hbm, acc_sh.at[pl.ds(base, rows_per_tile)])
    plsc.subcore_barrier()

    def group(g, carry):
      j0 = g * UN
      g_cp = []
      for b in range(UN):
        wait_idx(b)
        g_cp.append(pltpu.async_copy(p_hbm.at[src_vs[b]], rows_vs[b], gsems[b]))
      for b in range(UN):
        g_cp[b].wait()
        pltpu.sync_copy(rows_vs[b], acc_sh.at[dst_vs[b]], add=True)
        off = (wid + (j0 + UN + b) * NW) * CH
        pltpu.async_copy(src_hbm.at[pl.ds(off, CH)], src_vs[b], isems[b])
        pltpu.async_copy(dst_hbm.at[pl.ds(off, CH)], dst_vs[b], dsems[b])
      return carry

    lax.fori_loop(0, j_max // UN, group, 0)
    for b in range(UN):
      wait_idx(b)
    plsc.subcore_barrier()

    pltpu.sync_copy(acc_sh.at[pl.ds(base, rows_per_tile)],
                    g_out.at[pl.ds(cid * n_pad + base, rows_per_tile)])

  return pl.kernel(
      body,
      out_type=jax.ShapeDtypeStruct((NC * n_pad, w), jnp.float32),
      mesh=mesh,
      scratch_types=(
          [pltpu.VMEM_SHARED((n_pad, w), jnp.float32)] +
          [pltpu.VMEM((CH,), jnp.int32) for _ in range(UN)] +
          [pltpu.VMEM((CH,), jnp.int32) for _ in range(UN)] +
          [pltpu.VMEM((CH, w), jnp.float32) for _ in range(UN)] +
          [pltpu.SemaphoreType.DMA for _ in range(3 * UN)]))


@functools.lru_cache(maxsize=None)
def _make_deg(n_pad: int, w: int, e_pad: int):
  assert e_pad % (CH * NW * UN) == 0 and n_pad % (NS * 8) == 0
  rows_per_tile = n_pad // NS
  j_max = e_pad // (CH * NW)

  mesh = plsc.VectorSubcoreMesh(
      core_axis_name="c", subcore_axis_name="s",
      num_cores=NC, num_subcores=NS)

  def body(dst_hbm, z_hbm, ones_hbm, d_out, deg_sh, dst_all, ones_v):
    cid = lax.axis_index("c")
    sid = lax.axis_index("s")
    wid = sid * NC + cid
    base = sid * rows_per_tile
    cbase = wid * j_max

    pltpu.sync_copy(dst_hbm.at[pl.ds(cbase, j_max)], dst_all)
    pltpu.sync_copy(z_hbm, deg_sh.at[pl.ds(base, rows_per_tile)])
    pltpu.sync_copy(ones_hbm, ones_v)
    plsc.subcore_barrier()

    def chunk(j, carry):
      pltpu.sync_copy(ones_v, deg_sh.at[dst_all.at[j, 0]], add=True)
      return carry

    lax.fori_loop(0, j_max, chunk, 0)
    plsc.subcore_barrier()

    pltpu.sync_copy(deg_sh.at[pl.ds(base, rows_per_tile)],
                    d_out.at[pl.ds(cid * n_pad + base, rows_per_tile)])

  return pl.kernel(
      body,
      out_type=jax.ShapeDtypeStruct((NC * n_pad, w), jnp.float32),
      mesh=mesh,
      scratch_types=[
          pltpu.VMEM_SHARED((n_pad, w), jnp.float32),
          pltpu.VMEM((j_max, 1, CH), jnp.int32),
          pltpu.VMEM((CH, w), jnp.float32),
      ])



_R = 256


def _mm1(x, w1s, b1s, w1n):
  n_pad, d = x.shape
  h = w1s.shape[1]

  def body(x_ref, ws_ref, bs_ref, wn_ref, s_ref, p_ref):
    xb = x_ref[...]
    s = jnp.dot(xb, ws_ref[...], preferred_element_type=jnp.float32)
    s_ref[...] = jnp.maximum(s + bs_ref[...], 0.0)
    p_ref[...] = jnp.dot(xb, wn_ref[...], preferred_element_type=jnp.float32)

  return pl.pallas_call(
      body,
      grid=(n_pad // _R,),
      in_specs=[
          pl.BlockSpec((_R, d), lambda i: (i, 0)),
          pl.BlockSpec((d, h), lambda i: (0, 0)),
          pl.BlockSpec((1, h), lambda i: (0, 0)),
          pl.BlockSpec((d, h), lambda i: (0, 0)),
      ],
      out_specs=[
          pl.BlockSpec((_R, h), lambda i: (i, 0)),
          pl.BlockSpec((_R, h), lambda i: (i, 0)),
      ],
      out_shape=[jax.ShapeDtypeStruct((n_pad, h), jnp.float32),
                 jax.ShapeDtypeStruct((n_pad, h), jnp.float32)],
  )(x, w1s, b1s.reshape(1, h), w1n)


def _agg_half(g0, g1, d0, d1, bn):
  g = g0 + g1
  deg = d0[:, :1] + d1[:, :1]
  agg = g / jnp.maximum(deg, 1.0)
  return jnp.maximum(agg + bn, 0.0)


def _mm2(s1, g0, g1, d0, d1, b1n, w2s, b2s, w2n):
  n_pad, h = s1.shape
  d2 = 2 * h

  def body(s1_ref, g0_ref, g1_ref, d0_ref, d1_ref, bn_ref,
           ws_ref, bs_ref, wn_ref, s_ref, p_ref):
    hn = _agg_half(g0_ref[...], g1_ref[...], d0_ref[...], d1_ref[...],
                   bn_ref[...])
    h1 = jnp.concatenate([s1_ref[...], hn], axis=1)
    s = jnp.dot(h1, ws_ref[...], preferred_element_type=jnp.float32)
    s_ref[...] = jnp.maximum(s + bs_ref[...], 0.0)
    p_ref[...] = jnp.dot(h1, wn_ref[...], preferred_element_type=jnp.float32)

  row = lambda i: (i, 0)
  fixed = lambda i: (0, 0)
  return pl.pallas_call(
      body,
      grid=(n_pad // _R,),
      in_specs=[
          pl.BlockSpec((_R, h), row),
          pl.BlockSpec((_R, h), row),
          pl.BlockSpec((_R, h), row),
          pl.BlockSpec((_R, h), row),
          pl.BlockSpec((_R, h), row),
          pl.BlockSpec((1, h), fixed),
          pl.BlockSpec((d2, h), fixed),
          pl.BlockSpec((1, h), fixed),
          pl.BlockSpec((d2, h), fixed),
      ],
      out_specs=[
          pl.BlockSpec((_R, h), row),
          pl.BlockSpec((_R, h), row),
      ],
      out_shape=[jax.ShapeDtypeStruct((n_pad, h), jnp.float32)] * 2,
  )(s1, g0, g1, d0, d1, b1n.reshape(1, h), w2s, b2s.reshape(1, h), w2n)


def _mm3(s2, g0, g1, d0, d1, b2n, wc_pad, bc_pad):
  n_pad, h = s2.shape
  d2 = 2 * h
  cp = wc_pad.shape[1]

  def body(s2_ref, g0_ref, g1_ref, d0_ref, d1_ref, bn_ref,
           wc_ref, bc_ref, o_ref):
    hn = _agg_half(g0_ref[...], g1_ref[...], d0_ref[...], d1_ref[...],
                   bn_ref[...])
    h2 = jnp.concatenate([s2_ref[...], hn], axis=1)
    norm = jnp.sqrt(jnp.sum(h2 * h2, axis=1, keepdims=True))
    h2 = h2 / jnp.maximum(norm, 1e-12)
    o = jnp.dot(h2, wc_ref[...], preferred_element_type=jnp.float32)
    o_ref[...] = o + bc_ref[...]

  row = lambda i: (i, 0)
  fixed = lambda i: (0, 0)
  return pl.pallas_call(
      body,
      grid=(n_pad // _R,),
      in_specs=[
          pl.BlockSpec((_R, h), row),
          pl.BlockSpec((_R, h), row),
          pl.BlockSpec((_R, h), row),
          pl.BlockSpec((_R, h), row),
          pl.BlockSpec((_R, h), row),
          pl.BlockSpec((1, h), fixed),
          pl.BlockSpec((d2, cp), fixed),
          pl.BlockSpec((1, cp), fixed),
      ],
      out_specs=pl.BlockSpec((_R, cp), row),
      out_shape=jax.ShapeDtypeStruct((n_pad, cp), jnp.float32),
  )(s2, g0, g1, d0, d1, b2n.reshape(1, h), wc_pad, bc_pad.reshape(1, cp))



def kernel(x, edge_index, W1s, b1s, W1n, b1n, W2s, b2s, W2n, b2n, Wc, bc):
  n, d = x.shape
  h = W1s.shape[1]
  e = edge_index.shape[1]
  c = Wc.shape[1]
  align = max(NS * 8, _R)
  n_pad = ((n + align - 1) // align) * align
  rows_per_tile = n_pad // NS
  cp = 128
  eu = CH * NW * UN
  e_pad = ((e + eu - 1) // eu) * eu

  e_alloc = e_pad + UN * NW * CH
  src = jnp.pad(edge_index[0], (0, e_alloc - e))
  dst = jnp.pad(edge_index[1], (0, e_alloc - e), constant_values=n)
  dst3 = dst[:e_pad].reshape(e_pad // CH, 1, CH)
  x_pad = jnp.pad(x, ((0, n_pad - n), (0, 0)))
  wc_pad = jnp.pad(Wc, ((0, 0), (0, cp - c)))
  bc_pad = jnp.pad(bc, (0, cp - c))
  zeros_h = jnp.zeros((rows_per_tile, h), jnp.float32)
  ones = jnp.ones((CH, h), jnp.float32)

  s1, p1 = _mm1(x_pad, W1s, b1s, W1n)

  degp = _make_deg(n_pad, h, e_pad)(dst3, zeros_h, ones)
  dega, degb = degp[:n_pad], degp[n_pad:]

  g1p = _make_seg_sum(n_pad, h, e_pad)(p1, src, dst, zeros_h)
  g1a, g1b = g1p[:n_pad], g1p[n_pad:]

  s2, p2 = _mm2(s1, g1a, g1b, dega, degb, b1n, W2s, b2s, W2n)

  g2p = _make_seg_sum(n_pad, h, e_pad)(p2, src, dst, zeros_h)
  g2a, g2b = g2p[:n_pad], g2p[n_pad:]

  out = _mm3(s2, g2a, g2b, dega, degb, b2n, wc_pad, bc_pad)
  return out[:n, :c]

# --- scband reference (transcript-rebuilt; emitter-appended) ---
"""Pipeline reference for scband-net-23630910062641 (READ-ONLY COPY).

The authoritative reference and input builder live on the scoring server;
editing this copy changes nothing except your own understanding.
"""

import jax, jax.numpy as jnp
import numpy as np

N = 10000
E = 160000
D = 256
H = 128
C = 41


def setup_inputs(seed: int = 0) -> dict:
    key = jax.random.key(seed)
    ks = jax.random.split(key, 16)
    x = jax.random.normal(ks[0], (N, D), dtype=jnp.float32)
    edge_index = jax.random.randint(ks[1], (2, E), 0, N, dtype=jnp.int32)
    # SAGE layer 1: in D, out H (self + neighbor branches, concatenated -> 2H)
    W1s = jax.random.normal(ks[2], (D, H), dtype=jnp.float32) / np.sqrt(D)
    b1s = jnp.zeros((H,), dtype=jnp.float32)
    W1n = jax.random.normal(ks[3], (D, H), dtype=jnp.float32) / np.sqrt(D)
    b1n = jnp.zeros((H,), dtype=jnp.float32)
    # SAGE layer 2: in 2H, out H (concat -> 2H)
    W2s = jax.random.normal(ks[4], (2 * H, H), dtype=jnp.float32) / np.sqrt(2 * H)
    b2s = jnp.zeros((H,), dtype=jnp.float32)
    W2n = jax.random.normal(ks[5], (2 * H, H), dtype=jnp.float32) / np.sqrt(2 * H)
    b2n = jnp.zeros((H,), dtype=jnp.float32)
    # classifier: 2H -> C (xavier uniform)
    lim = np.sqrt(6.0 / (2 * H + C))
    Wc = jax.random.uniform(ks[6], (2 * H, C), dtype=jnp.float32, minval=-lim, maxval=lim)
    bc = jnp.zeros((C,), dtype=jnp.float32)
    return {"x": x, "edge_index": edge_index,
            "W1s": W1s, "b1s": b1s, "W1n": W1n, "b1n": b1n,
            "W2s": W2s, "b2s": b2s, "W2n": W2n, "b2n": b2n,
            "Wc": Wc, "bc": bc}


def _sage_layer(h, src, dst, Ws, bs, Wn, bn):
    msgs = h[src]
    agg = jax.ops.segment_sum(msgs, dst, num_segments=N)
    deg = jax.ops.segment_sum(jnp.ones((src.shape[0],), jnp.float32), dst, num_segments=N)
    agg = agg / jnp.clip(deg, 1.0)[:, None]
    out = jnp.concatenate([h @ Ws + bs, agg @ Wn + bn], axis=1)
    return jax.nn.relu(out)


def reference(x, edge_index, W1s, b1s, W1n, b1n, W2s, b2s, W2n, b2n, Wc, bc):
    src = edge_index[0]
    dst = edge_index[1]
    h1 = _sage_layer(x, src, dst, W1s, b1s, W1n, b1n)      # [N, 2H]
    h2 = _sage_layer(h1, src, dst, W2s, b2s, W2n, b2n)     # [N, 2H]
    # F.normalize(p=2, dim=1), eps=1e-12
    norm = jnp.sqrt(jnp.sum(h2 * h2, axis=1, keepdims=True))
    h2 = h2 / jnp.maximum(norm, 1e-12)
    logits = h2 @ Wc + bc                                   # [N, C]
    return logits

if __name__ == "__main__":
    import jax
    _d = setup_inputs()
    print(jax.jit(kernel)(*tuple(_d.values())))

</pallas_src>

<mosaic_0001>
#map = affine_map<(d0, d1) -> (0, 0, 0)>
#map1 = affine_map<(d0, d1) -> (0, 0)>
module attributes {stable_mosaic.version = 14 : i64} {
  func.func @body(%arg0: i32, %arg1: i32, %arg2: memref<1280x1x128xi32, #tpu.memory_space<hbm>>, %arg3: memref<640x128xf32, #tpu.memory_space<hbm>>, %arg4: memref<128x128xf32, #tpu.memory_space<hbm>>, %arg5: memref<20480x128xf32, #tpu.memory_space<hbm>>, %arg6: memref<10240x128xf32, #tpu.memory_space<vmem_shared>>, %arg7: memref<40x1x128xi32, #tpu.memory_space<vmem>>, %arg8: memref<128x128xf32, #tpu.memory_space<vmem>>) attributes {dimension_semantics = [#tpu.dimension_semantics<core_parallel>, #tpu.dimension_semantics<subcore_parallel>], iteration_bounds = array<i64: 2, 16>, scalar_prefetch = 0 : i64, scratch_operands = 3 : i64, tpu.core_type = #tpu.core_type<sc_vector_subcore>, window_params = [{transform_indices = #map}, {transform_indices = #map1}, {transform_indices = #map1}, {transform_indices = #map1}]} {
    %mul3A = arith.constant 2 : i32
    %mul3A_0 = arith.muli %arg1, %mul3A : i32
    %add3A = arith.addi %mul3A_0, %arg0 : i32
    %mul3A_1 = arith.constant 640 : i32
    %mul3A_2 = arith.muli %arg1, %mul3A_1 : i32
    %mul3A_3 = arith.constant 40 : i32
    %mul3A_4 = arith.muli %add3A, %mul3A_3 : i32
    "tpu.region"() ({
      %run_scoped3A = tpu.sem_alloc : memref<!tpu.dma_semaphore, #tpu.memory_space<semaphore_mem>>
      %dma_start3A = arith.constant 0 : i32
      %dma_start3A_14 = arith.constant 0 : i32
      %dma_start3A_15 = tpu.memref_slice %arg2[%mul3A_4, %dma_start3A, %dma_start3A_14] : memref<1280x1x128xi32, #tpu.memory_space<hbm>> -> memref<40x1x128xi32, #tpu.memory_space<hbm>>
      %dma_start3A_16 = arith.constant 0 : i32
      %dma_start3A_17 = arith.constant 0 : i32
      %dma_start3A_18 = tpu.memref_slice %arg2[%mul3A_4, %dma_start3A_16, %dma_start3A_17] : memref<1280x1x128xi32, #tpu.memory_space<hbm>> -> memref<40x1x128xi32, #tpu.memory_space<hbm>>
      tpu.enqueue_dma source(%dma_start3A_18 : memref<40x1x128xi32, #tpu.memory_space<hbm>>) target(%arg7 : memref<40x1x128xi32, #tpu.memory_space<vmem>>) target_semaphore(%run_scoped3A : memref<!tpu.dma_semaphore, #tpu.memory_space<semaphore_mem>>)
      %dma_wait3A = arith.constant 0 : i32
      %dma_wait3A_19 = arith.constant 0 : i32
      %dma_wait3A_20 = tpu.memref_slice %arg2[%mul3A_4, %dma_wait3A, %dma_wait3A_19] : memref<1280x1x128xi32, #tpu.memory_space<hbm>> -> memref<40x1x128xi32, #tpu.memory_space<hbm>>
      %dma_wait3A_21 = arith.constant 0 : i32
      %dma_wait3A_22 = arith.constant 0 : i32
      %dma_wait3A_23 = tpu.memref_slice %arg2[%mul3A_4, %dma_wait3A_21, %dma_wait3A_22] : memref<1280x1x128xi32, #tpu.memory_space<hbm>> -> memref<40x1x128xi32, #tpu.memory_space<hbm>>
      tpu.wait_dma2 semaphore(%run_scoped3A : memref<!tpu.dma_semaphore, #tpu.memory_space<semaphore_mem>>) src(%dma_wait3A_23 : memref<40x1x128xi32, #tpu.memory_space<hbm>>) dst(%arg7 : memref<40x1x128xi32, #tpu.memory_space<vmem>>)
      tpu.yield
    }) : () -> ()
    "tpu.region"() ({
      %run_scoped3A = tpu.sem_alloc : memref<!tpu.dma_semaphore, #tpu.memory_space<semaphore_mem>>
      %dma_start3A = arith.constant 0 : i32
      %dma_start3A_14 = tpu.memref_slice %arg6[%mul3A_2, %dma_start3A] : memref<10240x128xf32, #tpu.memory_space<vmem_shared>> -> memref<640x128xf32, #tpu.memory_space<vmem_shared>>
      tpu.enqueue_dma source(%arg3 : memref<640x128xf32, #tpu.memory_space<hbm>>) target(%dma_start3A_14 : memref<640x128xf32, #tpu.memory_space<vmem_shared>>) target_semaphore(%run_scoped3A : memref<!tpu.dma_semaphore, #tpu.memory_space<semaphore_mem>>)
      %dma_wait3A = arith.constant 0 : i32
      %dma_wait3A_15 = tpu.memref_slice %arg6[%mul3A_2, %dma_wait3A] : memref<10240x128xf32, #tpu.memory_space<vmem_shared>> -> memref<640x128xf32, #tpu.memory_space<vmem_shared>>
      tpu.wait_dma2 semaphore(%run_scoped3A : memref<!tpu.dma_semaphore, #tpu.memory_space<semaphore_mem>>) src(%arg3 : memref<640x128xf32, #tpu.memory_space<hbm>>) dst(%dma_wait3A_15 : memref<640x128xf32, #tpu.memory_space<vmem_shared>>)
      tpu.yield
    }) : () -> ()
    "tpu.region"() ({
      %run_scoped3A = tpu.sem_alloc : memref<!tpu.dma_semaphore, #tpu.memory_space<semaphore_mem>>
      tpu.enqueue_dma source(%arg4 : memref<128x128xf32, #tpu.memory_space<hbm>>) target(%arg8 : memref<128x128xf32, #tpu.memory_space<vmem>>) target_semaphore(%run_scoped3A : memref<!tpu.dma_semaphore, #tpu.memory_space<semaphore_mem>>)
      tpu.wait_dma2 semaphore(%run_scoped3A : memref<!tpu.dma_semaphore, #tpu.memory_space<semaphore_mem>>) src(%arg4 : memref<128x128xf32, #tpu.memory_space<hbm>>) dst(%arg8 : memref<128x128xf32, #tpu.memory_space<vmem>>)
      tpu.yield
    }) : () -> ()
    %barrier3A = arith.constant 0 : index
    tpu.barrier barrier_id(%barrier3A)
    %scan3A = arith.constant 0 : i32
    %scan3A_5 = arith.constant 0 : i32
    %scan3A_6 = arith.constant 40 : i32
    %scan3A_7 = arith.addi %scan3A_5, %scan3A_6 : i32
    %scan3A_8 = arith.constant 1 : i32
    scf.for %scan3A_14 = %scan3A_5 to %scan3A_7 step %scan3A_8  : i32 {
      %run_scoped3A = arith.constant 0 : i32
      "tpu.region"() ({
        %run_scoped3A_15 = tpu.sem_alloc : memref<!tpu.dma_semaphore, #tpu.memory_space<semaphore_mem>>
        %dma_start3A = arith.constant 0 : i32
        %dma_start3A_16 = tpu.memref_slice %arg7[%scan3A_14, %run_scoped3A, %dma_start3A] : memref<40x1x128xi32, #tpu.memory_space<vmem>> -> memref<1x1x128xi32, #tpu.memory_space<vmem>>
        %dma_start3A_17 = tpu.memref_squeeze %dma_start3A_16 : memref<1x1x128xi32, #tpu.memory_space<vmem>> -> memref<128xi32, #tpu.memory_space<vmem>>
        %dma_start3A_18 = arith.constant 0 : i32
        %dma_start3A_19 = arith.constant 0 : i32
        %dma_start3A_20 = tpu.memref_slice %arg6[%dma_start3A_18, %dma_start3A_19] : memref<10240x128xf32, #tpu.memory_space<vmem_shared>> -> memref<10240x128xf32, #tpu.memory_space<vmem_shared>>
        tpu.enqueue_indirect_dma source(%arg8 : memref<128x128xf32, #tpu.memory_space<vmem>>) target(%dma_start3A_20 : memref<10240x128xf32, #tpu.memory_space<vmem_shared>>) offsets(%dma_start3A_17 : memref<128xi32, #tpu.memory_space<vmem>>) semaphore(%run_scoped3A_15 : memref<!tpu.dma_semaphore, #tpu.memory_space<semaphore_mem>>) {add = true}
        %dma_wait3A = arith.constant 0 : i32
        %dma_wait3A_21 = tpu.memref_slice %arg7[%scan3A_14, %run_scoped3A, %dma_wait3A] : memref<40x1x128xi32, #tpu.memory_space<vmem>> -> memref<1x1x128xi32, #tpu.memory_space<vmem>>
        %dma_wait3A_22 = tpu.memref_squeeze %dma_wait3A_21 : memref<1x1x128xi32, #tpu.memory_space<vmem>> -> memref<128xi32, #tpu.memory_space<vmem>>
        %dma_wait3A_23 = arith.constant 0 : i32
        %dma_wait3A_24 = arith.constant 0 : i32
        %dma_wait3A_25 = tpu.memref_slice %arg6[%dma_wait3A_23, %dma_wait3A_24] : memref<10240x128xf32, #tpu.memory_space<vmem_shared>> -> memref<10240x128xf32, #tpu.memory_space<vmem_shared>>
        tpu.wait_indirect_dma semaphore(%run_scoped3A_15 : memref<!tpu.dma_semaphore, #tpu.memory_space<semaphore_mem>>) src(%arg8 : memref<128x128xf32, #tpu.memory_space<vmem>>) dst(%dma_wait3A_25 : memref<10240x128xf32, #tpu.memory_space<vmem_shared>>)
        tpu.yield
      }) : () -> ()
    }
    %scan3A_9 = arith.constant 40 : i32
    %barrier3A_10 = arith.constant 0 : index
    tpu.barrier barrier_id(%barrier3A_10)
    %mul3A_11 = arith.constant 10240 : i32
    %mul3A_12 = arith.muli %arg0, %mul3A_11 : i32
    %add3A_13 = arith.addi %mul3A_12, %mul3A_2 : i32
    "tpu.region"() ({
      %run_scoped3A = tpu.sem_alloc : memref<!tpu.dma_semaphore, #tpu.memory_space<semaphore_mem>>
      %dma_start3A = arith.constant 0 : i32
      %dma_start3A_14 = tpu.memref_slice %arg5[%add3A_13, %dma_start3A] : memref<20480x128xf32, #tpu.memory_space<hbm>> -> memref<640x128xf32, #tpu.memory_space<hbm>>
      %dma_start3A_15 = arith.constant 0 : i32
      %dma_start3A_16 = tpu.memref_slice %arg6[%mul3A_2, %dma_start3A_15] : memref<10240x128xf32, #tpu.memory_space<vmem_shared>> -> memref<640x128xf32, #tpu.memory_space<vmem_shared>>
      tpu.enqueue_dma source(%dma_start3A_16 : memref<640x128xf32, #tpu.memory_space<vmem_shared>>) target(%dma_start3A_14 : memref<640x128xf32, #tpu.memory_space<hbm>>) target_semaphore(%run_scoped3A : memref<!tpu.dma_semaphore, #tpu.memory_space<semaphore_mem>>)
      %dma_wait3A = arith.constant 0 : i32
      %dma_wait3A_17 = tpu.memref_slice %arg5[%add3A_13, %dma_wait3A] : memref<20480x128xf32, #tpu.memory_space<hbm>> -> memref<640x128xf32, #tpu.memory_space<hbm>>
      %dma_wait3A_18 = arith.constant 0 : i32
      %dma_wait3A_19 = tpu.memref_slice %arg6[%mul3A_2, %dma_wait3A_18] : memref<10240x128xf32, #tpu.memory_space<vmem_shared>> -> memref<640x128xf32, #tpu.memory_space<vmem_shared>>
      tpu.wait_dma2 semaphore(%run_scoped3A : memref<!tpu.dma_semaphore, #tpu.memory_space<semaphore_mem>>) src(%dma_wait3A_19 : memref<640x128xf32, #tpu.memory_space<vmem_shared>>) dst(%dma_wait3A_17 : memref<640x128xf32, #tpu.memory_space<hbm>>)
      tpu.yield
    }) : () -> ()
    return
  }
}

#map = affine_map<(d0, d1) -> (0, 0)>
#map1 = affine_map<(d0, d1) -> (0)>
module attributes {stable_mosaic.version = 14 : i64} {
  func.func @body(%arg0: i32, %arg1: i32, %arg2: memref<10240x128xf32, #tpu.memory_space<hbm>>, %arg3: memref<172032xi32, #tpu.memory_space<hbm>>, %arg4: memref<172032xi32, #tpu.memory_space<hbm>>, %arg5: memref<640x128xf32, #tpu.memory_space<hbm>>, %arg6: memref<20480x128xf32, #tpu.memory_space<hbm>>, %arg7: memref<10240x128xf32, #tpu.memory_space<vmem_shared>>, %arg8: memref<128xi32, #tpu.memory_space<vmem>>, %arg9: memref<128xi32, #tpu.memory_space<vmem>>, %arg10: memref<128xi32, #tpu.memory_space<vmem>>, %arg11: memref<128xi32, #tpu.memory_space<vmem>>, %arg12: memref<128x128xf32, #tpu.memory_space<vmem>>, %arg13: memref<128x128xf32, #tpu.memory_space<vmem>>, %arg14: memref<!tpu.dma_semaphore, #tpu.memory_space<semaphore_mem>>, %arg15: memref<!tpu.dma_semaphore, #tpu.memory_space<semaphore_mem>>, %arg16: memref<!tpu.dma_semaphore, #tpu.memory_space<semaphore_mem>>, %arg17: memref<!tpu.dma_semaphore, #tpu.memory_space<semaphore_mem>>, %arg18: memref<!tpu.dma_semaphore, #tpu.memory_space<semaphore_mem>>, %arg19: memref<!tpu.dma_semaphore, #tpu.memory_space<semaphore_mem>>) attributes {dimension_semantics = [#tpu.dimension_semantics<core_parallel>, #tpu.dimension_semantics<subcore_parallel>], iteration_bounds = array<i64: 2, 16>, scalar_prefetch = 0 : i64, scratch_operands = 13 : i64, tpu.core_type = #tpu.core_type<sc_vector_subcore>, window_params = [{transform_indices = #map}, {transform_indices = #map1}, {transform_indices = #map1}, {transform_indices = #map}, {transform_indices = #map}]} {
    %mul3A = arith.constant 2 : i32
    %mul3A_0 = arith.muli %arg1, %mul3A : i32
    %add3A = arith.addi %mul3A_0, %arg0 : i32
    %mul3A_1 = arith.constant 640 : i32
    %mul3A_2 = arith.muli %arg1, %mul3A_1 : i32
    %add3A_3 = arith.constant 0 : i32
    %add3A_4 = arith.addi %add3A, %add3A_3 : i32
    %mul3A_5 = arith.constant 128 : i32
    %mul3A_6 = arith.muli %add3A_4, %mul3A_5 : i32
    %dma_start3A = tpu.memref_slice %arg3[%mul3A_6] : memref<172032xi32, #tpu.memory_space<hbm>> -> memref<128xi32, #tpu.memory_space<hbm>>
    %dma_start3A_7 = tpu.memref_slice %arg3[%mul3A_6] : memref<172032xi32, #tpu.memory_space<hbm>> -> memref<128xi32, #tpu.memory_space<hbm>>
    tpu.enqueue_dma source(%dma_start3A_7 : memref<128xi32, #tpu.memory_space<hbm>>) target(%arg8 : memref<128xi32, #tpu.memory_space<vmem>>) target_semaphore(%arg14 : memref<!tpu.dma_semaphore, #tpu.memory_space<semaphore_mem>>)
    %dma_start3A_8 = tpu.memref_slice %arg4[%mul3A_6] : memref<172032xi32, #tpu.memory_space<hbm>> -> memref<128xi32, #tpu.memory_space<hbm>>
    %dma_start3A_9 = tpu.memref_slice %arg4[%mul3A_6] : memref<172032xi32, #tpu.memory_space<hbm>> -> memref<128xi32, #tpu.memory_space<hbm>>
    tpu.enqueue_dma source(%dma_start3A_9 : memref<128xi32, #tpu.memory_space<hbm>>) target(%arg10 : memref<128xi32, #tpu.memory_space<vmem>>) target_semaphore(%arg16 : memref<!tpu.dma_semaphore, #tpu.memory_space<semaphore_mem>>)
    %add3A_10 = arith.constant 32 : i32
    %add3A_11 = arith.addi %add3A, %add3A_10 : i32
    %mul3A_12 = arith.constant 128 : i32
    %mul3A_13 = arith.muli %add3A_11, %mul3A_12 : i32
    %dma_start3A_14 = tpu.memref_slice %arg3[%mul3A_13] : memref<172032xi32, #tpu.memory_space<hbm>> -> memref<128xi32, #tpu.memory_space<hbm>>
    %dma_start3A_15 = tpu.memref_slice %arg3[%mul3A_13] : memref<172032xi32, #tpu.memory_space<hbm>> -> memref<128xi32, #tpu.memory_space<hbm>>
    tpu.enqueue_dma source(%dma_start3A_15 : memref<128xi32, #tpu.memory_space<hbm>>) target(%arg9 : memref<128xi32, #tpu.memory_space<vmem>>) target_semaphore(%arg15 : memref<!tpu.dma_semaphore, #tpu.memory_space<semaphore_mem>>)
    %dma_start3A_16 = tpu.memref_slice %arg4[%mul3A_13] : memref<172032xi32, #tpu.memory_space<hbm>> -> memref<128xi32, #tpu.memory_space<hbm>>
    %dma_start3A_17 = tpu.memref_slice %arg4[%mul3A_13] : memref<172032xi32, #tpu.memory_space<hbm>> -> memref<128xi32, #tpu.memory_space<hbm>>
    tpu.enqueue_dma source(%dma_start3A_17 : memref<128xi32, #tpu.memory_space<hbm>>) target(%arg11 : memref<128xi32, #tpu.memory_space<vmem>>) target_semaphore(%arg17 : memref<!tpu.dma_semaphore, #tpu.memory_space<semaphore_mem>>)
    "tpu.region"() ({
      %run_scoped3A = tpu.sem_alloc : memref<!tpu.dma_semaphore, #tpu.memory_space<semaphore_mem>>
      %dma_start3A_42 = arith.constant 0 : i32
      %dma_start3A_43 = tpu.memref_slice %arg7[%mul3A_2, %dma_start3A_42] : memref<10240x128xf32, #tpu.memory_space<vmem_shared>> -> memref<640x128xf32, #tpu.memory_space<vmem_shared>>
      tpu.enqueue_dma source(%arg5 : memref<640x128xf32, #tpu.memory_space<hbm>>) target(%dma_start3A_43 : memref<640x128xf32, #tpu.memory_space<vmem_shared>>) target_semaphore(%run_scoped3A : memref<!tpu.dma_semaphore, #tpu.memory_space<semaphore_mem>>)
      %dma_wait3A_44 = arith.constant 0 : i32
      %dma_wait3A_45 = tpu.memref_slice %arg7[%mul3A_2, %dma_wait3A_44] : memref<10240x128xf32, #tpu.memory_space<vmem_shared>> -> memref<640x128xf32, #tpu.memory_space<vmem_shared>>
      tpu.wait_dma2 semaphore(%run_scoped3A : memref<!tpu.dma_semaphore, #tpu.memory_space<semaphore_mem>>) src(%arg5 : memref<640x128xf32, #tpu.memory_space<hbm>>) dst(%dma_wait3A_45 : memref<640x128xf32, #tpu.memory_space<vmem_shared>>)
      tpu.yield
    }) : () -> ()
    %barrier3A = arith.constant 0 : index
    tpu.barrier barrier_id(%barrier3A)
    %scan3A = arith.constant 0 : i32
    %scan3A_18 = arith.constant 0 : i32
    %scan3A_19 = arith.constant 20 : i32
    %scan3A_20 = arith.addi %scan3A_18, %scan3A_19 : i32
    %scan3A_21 = arith.constant 1 : i32
    scf.for %scan3A_42 = %scan3A_18 to %scan3A_20 step %scan3A_21  : i32 {
      %mul3A_43 = arith.constant 2 : i32
      %mul3A_44 = arith.muli %scan3A_42, %mul3A_43 : i32
      %dma_wait3A_45 = arith.constant 0 : i32
      %dma_wait3A_46 = tpu.memref_slice %arg3[%dma_wait3A_45] : memref<172032xi32, #tpu.memory_space<hbm>> -> memref<128xi32, #tpu.memory_space<hbm>>
      %dma_wait3A_47 = arith.constant 0 : i32
      %dma_wait3A_48 = tpu.memref_slice %arg3[%dma_wait3A_47] : memref<172032xi32, #tpu.memory_space<hbm>> -> memref<128xi32, #tpu.memory_space<hbm>>
      tpu.wait_dma2 semaphore(%arg14 : memref<!tpu.dma_semaphore, #tpu.memory_space<semaphore_mem>>) src(%dma_wait3A_48 : memref<128xi32, #tpu.memory_space<hbm>>) dst(%arg8 : memref<128xi32, #tpu.memory_space<vmem>>)
      %dma_wait3A_49 = arith.constant 0 : i32
      %dma_wait3A_50 = tpu.memref_slice %arg4[%dma_wait3A_49] : memref<172032xi32, #tpu.memory_space<hbm>> -> memref<128xi32, #tpu.memory_space<hbm>>
      %dma_wait3A_51 = arith.constant 0 : i32
      %dma_wait3A_52 = tpu.memref_slice %arg4[%dma_wait3A_51] : memref<172032xi32, #tpu.memory_space<hbm>> -> memref<128xi32, #tpu.memory_space<hbm>>
      tpu.wait_dma2 semaphore(%arg16 : memref<!tpu.dma_semaphore, #tpu.memory_space<semaphore_mem>>) src(%dma_wait3A_52 : memref<128xi32, #tpu.memory_space<hbm>>) dst(%arg10 : memref<128xi32, #tpu.memory_space<vmem>>)
      %dma_start3A_53 = arith.constant 0 : i32
      %dma_start3A_54 = arith.constant 0 : i32
      %dma_start3A_55 = tpu.memref_slice %arg2[%dma_start3A_53, %dma_start3A_54] : memref<10240x128xf32, #tpu.memory_space<hbm>> -> memref<10240x128xf32, #tpu.memory_space<hbm>>
      tpu.enqueue_indirect_dma source(%dma_start3A_55 : memref<10240x128xf32, #tpu.memory_space<hbm>>) target(%arg12 : memref<128x128xf32, #tpu.memory_space<vmem>>) offsets(%arg8 : memref<128xi32, #tpu.memory_space<vmem>>) semaphore(%arg18 : memref<!tpu.dma_semaphore, #tpu.memory_space<semaphore_mem>>)
      %dma_wait3A_56 = arith.constant 0 : i32
      %dma_wait3A_57 = tpu.memref_slice %arg3[%dma_wait3A_56] : memref<172032xi32, #tpu.memory_space<hbm>> -> memref<128xi32, #tpu.memory_space<hbm>>
      %dma_wait3A_58 = arith.constant 0 : i32
      %dma_wait3A_59 = tpu.memref_slice %arg3[%dma_wait3A_58] : memref<172032xi32, #tpu.memory_space<hbm>> -> memref<128xi32, #tpu.memory_space<hbm>>
      tpu.wait_dma2 semaphore(%arg15 : memref<!tpu.dma_semaphore, #tpu.memory_space<semaphore_mem>>) src(%dma_wait3A_59 : memref<128xi32, #tpu.memory_space<hbm>>) dst(%arg9 : memref<128xi32, #tpu.memory_space<vmem>>)
      %dma_wait3A_60 = arith.constant 0 : i32
      %dma_wait3A_61 = tpu.memref_slice %arg4[%dma_wait3A_60] : memref<172032xi32, #tpu.memory_space<hbm>> -> memref<128xi32, #tpu.memory_space<hbm>>
      %dma_wait3A_62 = arith.constant 0 : i32
      %dma_wait3A_63 = tpu.memref_slice %arg4[%dma_wait3A_62] : memref<172032xi32, #tpu.memory_space<hbm>> -> memref<128xi32, #tpu.memory_space<hbm>>
      tpu.wait_dma2 semaphore(%arg17 : memref<!tpu.dma_semaphore, #tpu.memory_space<semaphore_mem>>) src(%dma_wait3A_63 : memref<128xi32, #tpu.memory_space<hbm>>) dst(%arg11 : memref<128xi32, #tpu.memory_space<vmem>>)
      %dma_start3A_64 = arith.constant 0 : i32
      %dma_start3A_65 = arith.constant 0 : i32
      %dma_start3A_66 = tpu.memref_slice %arg2[%dma_start3A_64, %dma_start3A_65] : memref<10240x128xf32, #tpu.memory_space<hbm>> -> memref<10240x128xf32, #tpu.memory_space<hbm>>
      tpu.enqueue_indirect_dma source(%dma_start3A_66 : memref<10240x128xf32, #tpu.memory_space<hbm>>) target(%arg13 : memref<128x128xf32, #tpu.memory_space<vmem>>) offsets(%arg9 : memref<128xi32, #tpu.memory_space<vmem>>) semaphore(%arg19 : memref<!tpu.dma_semaphore, #tpu.memory_space<semaphore_mem>>)
      %dma_wait3A_67 = arith.constant 0 : i32
      %dma_wait3A_68 = arith.constant 0 : i32
      %dma_wait3A_69 = tpu.memref_slice %arg2[%dma_wait3A_67, %dma_wait3A_68] : memref<10240x128xf32, #tpu.memory_space<hbm>> -> memref<10240x128xf32, #tpu.memory_space<hbm>>
      tpu.wait_indirect_dma semaphore(%arg18 : memref<!tpu.dma_semaphore, #tpu.memory_space<semaphore_mem>>) src(%dma_wait3A_69 : memref<10240x128xf32, #tpu.memory_space<hbm>>) dst(%arg12 : memref<128x128xf32, #tpu.memory_space<vmem>>)
      "tpu.region"() ({
        %run_scoped3A = tpu.sem_alloc : memref<!tpu.dma_semaphore, #tpu.memory_space<semaphore_mem>>
        %dma_start3A_99 = arith.constant 0 : i32
        %dma_start3A_100 = arith.constant 0 : i32
        %dma_start3A_101 = tpu.memref_slice %arg7[%dma_start3A_99, %dma_start3A_100] : memref<10240x128xf32, #tpu.memory_space<vmem_shared>> -> memref<10240x128xf32, #tpu.memory_space<vmem_shared>>
        tpu.enqueue_indirect_dma source(%arg12 : memref<128x128xf32, #tpu.memory_space<vmem>>) target(%dma_start3A_101 : memref<10240x128xf32, #tpu.memory_space<vmem_shared>>) offsets(%arg10 : memref<128xi32, #tpu.memory_space<vmem>>) semaphore(%run_scoped3A : memref<!tpu.dma_semaphore, #tpu.memory_space<semaphore_mem>>) {add = true}
        %dma_wait3A_102 = arith.constant 0 : i32
        %dma_wait3A_103 = arith.constant 0 : i32
        %dma_wait3A_104 = tpu.memref_slice %arg7[%dma_wait3A_102, %dma_wait3A_103] : memref<10240x128xf32, #tpu.memory_space<vmem_shared>> -> memref<10240x128xf32, #tpu.memory_space<vmem_shared>>
        tpu.wait_indirect_dma semaphore(%run_scoped3A : memref<!tpu.dma_semaphore, #tpu.memory_space<semaphore_mem>>) src(%arg12 : memref<128x128xf32, #tpu.memory_space<vmem>>) dst(%dma_wait3A_104 : memref<10240x128xf32, #tpu.memory_space<vmem_shared>>)
        tpu.yield
      }) : () -> ()
      %add3A_70 = arith.constant 2 : i32
      %add3A_71 = arith.addi %mul3A_44, %add3A_70 : i32
      %add3A_72 = arith.constant 0 : i32
      %add3A_73 = arith.addi %add3A_71, %add3A_72 : i32
      %mul3A_74 = arith.constant 32 : i32
      %mul3A_75 = arith.muli %add3A_73, %mul3A_74 : i32
      %add3A_76 = arith.addi %add3A, %mul3A_75 : i32
      %mul3A_77 = arith.constant 128 : i32
      %mul3A_78 = arith.muli %add3A_76, %mul3A_77 : i32
      %dma_start3A_79 = tpu.memref_slice %arg3[%mul3A_78] : memref<172032xi32, #tpu.memory_space<hbm>> -> memref<128xi32, #tpu.memory_space<hbm>>
      %dma_start3A_80 = tpu.memref_slice %arg3[%mul3A_78] : memref<172032xi32, #tpu.memory_space<hbm>> -> memref<128xi32, #tpu.memory_space<hbm>>
      tpu.enqueue_dma source(%dma_start3A_80 : memref<128xi32, #tpu.memory_space<hbm>>) target(%arg8 : memref<128xi32, #tpu.memory_space<vmem>>) target_semaphore(%arg14 : memref<!tpu.dma_semaphore, #tpu.memory_space<semaphore_mem>>)
      %dma_start3A_81 = tpu.memref_slice %arg4[%mul3A_78] : memref<172032xi32, #tpu.memory_space<hbm>> -> memref<128xi32, #tpu.memory_space<hbm>>
      %dma_start3A_82 = tpu.memref_slice %arg4[%mul3A_78] : memref<172032xi32, #tpu.memory_space<hbm>> -> memref<128xi32, #tpu.memory_space<hbm>>
      tpu.enqueue_dma source(%dma_start3A_82 : memref<128xi32, #tpu.memory_space<hbm>>) target(%arg10 : memref<128xi32, #tpu.memory_space<vmem>>) target_semaphore(%arg16 : memref<!tpu.dma_semaphore, #tpu.memory_space<semaphore_mem>>)
      %dma_wait3A_83 = arith.constant 0 : i32
      %dma_wait3A_84 = arith.constant 0 : i32
      %dma_wait3A_85 = tpu.memref_slice %arg2[%dma_wait3A_83, %dma_wait3A_84] : memref<10240x128xf32, #tpu.memory_space<hbm>> -> memref<10240x128xf32, #tpu.memory_space<hbm>>
      tpu.wait_indirect_dma semaphore(%arg19 : memref<!tpu.dma_semaphore, #tpu.memory_space<semaphore_mem>>) src(%dma_wait3A_85 : memref<10240x128xf32, #tpu.memory_space<hbm>>) dst(%arg13 : memref<128x128xf32, #tpu.memory_space<vmem>>)
      "tpu.region"() ({
        %run_scoped3A = tpu.sem_alloc : memref<!tpu.dma_semaphore, #tpu.memory_space<semaphore_mem>>
        %dma_start3A_99 = arith.constant 0 : i32
        %dma_start3A_100 = arith.constant 0 : i32
        %dma_start3A_101 = tpu.memref_slice %arg7[%dma_start3A_99, %dma_start3A_100] : memref<10240x128xf32, #tpu.memory_space<vmem_shared>> -> memref<10240x128xf32, #tpu.memory_space<vmem_shared>>
        tpu.enqueue_indirect_dma source(%arg13 : memref<128x128xf32, #tpu.memory_space<vmem>>) target(%dma_start3A_101 : memref<10240x128xf32, #tpu.memory_space<vmem_shared>>) offsets(%arg11 : memref<128xi32, #tpu.memory_space<vmem>>) semaphore(%run_scoped3A : memref<!tpu.dma_semaphore, #tpu.memory_space<semaphore_mem>>) {add = true}
        %dma_wait3A_102 = arith.constant 0 : i32
        %dma_wait3A_103 = arith.constant 0 : i32
        %dma_wait3A_104 = tpu.memref_slice %arg7[%dma_wait3A_102, %dma_wait3A_103] : memref<10240x128xf32, #tpu.memory_space<vmem_shared>> -> memref<10240x128xf32, #tpu.memory_space<vmem_shared>>
        tpu.wait_indirect_dma semaphore(%run_scoped3A : memref<!tpu.dma_semaphore, #tpu.memory_space<semaphore_mem>>) src(%arg13 : memref<128x128xf32, #tpu.memory_space<vmem>>) dst(%dma_wait3A_104 : memref<10240x128xf32, #tpu.memory_space<vmem_shared>>)
        tpu.yield
      }) : () -> ()
      %add3A_86 = arith.constant 2 : i32
      %add3A_87 = arith.addi %mul3A_44, %add3A_86 : i32
      %add3A_88 = arith.constant 1 : i32
      %add3A_89 = arith.addi %add3A_87, %add3A_88 : i32
      %mul3A_90 = arith.constant 32 : i32
      %mul3A_91 = arith.muli %add3A_89, %mul3A_90 : i32
      %add3A_92 = arith.addi %add3A, %mul3A_91 : i32
      %mul3A_93 = arith.constant 128 : i32
      %mul3A_94 = arith.muli %add3A_92, %mul3A_93 : i32
      %dma_start3A_95 = tpu.memref_slice %arg3[%mul3A_94] : memref<172032xi32, #tpu.memory_space<hbm>> -> memref<128xi32, #tpu.memory_space<hbm>>
      %dma_start3A_96 = tpu.memref_slice %arg3[%mul3A_94] : memref<172032xi32, #tpu.memory_space<hbm>> -> memref<128xi32, #tpu.memory_space<hbm>>
      tpu.enqueue_dma source(%dma_start3A_96 : memref<128xi32, #tpu.memory_space<hbm>>) target(%arg9 : memref<128xi32, #tpu.memory_space<vmem>>) target_semaphore(%arg15 : memref<!tpu.dma_semaphore, #tpu.memory_space<semaphore_mem>>)
      %dma_start3A_97 = tpu.memref_slice %arg4[%mul3A_94] : memref<172032xi32, #tpu.memory_space<hbm>> -> memref<128xi32, #tpu.memory_space<hbm>>
      %dma_start3A_98 = tpu.memref_slice %arg4[%mul3A_94] : memref<172032xi32, #tpu.memory_space<hbm>> -> memref<128xi32, #tpu.memory_space<hbm>>
      tpu.enqueue_dma source(%dma_start3A_98 : memref<128xi32, #tpu.memory_space<hbm>>) target(%arg11 : memref<128xi32, #tpu.memory_space<vmem>>) target_semaphore(%arg17 : memref<!tpu.dma_semaphore, #tpu.memory_space<semaphore_mem>>)
    }
    %scan3A_22 = arith.constant 20 : i32
    %dma_wait3A = arith.constant 0 : i32
    %dma_wait3A_23 = tpu.memref_slice %arg3[%dma_wait3A] : memref<172032xi32, #tpu.memory_space<hbm>> -> memref<128xi32, #tpu.memory_space<hbm>>
    %dma_wait3A_24 = arith.constant 0 : i32
    %dma_wait3A_25 = tpu.memref_slice %arg3[%dma_wait3A_24] : memref<172032xi32, #tpu.memory_space<hbm>> -> memref<128xi32, #tpu.memory_space<hbm>>
    tpu.wait_dma2 semaphore(%arg14 : memref<!tpu.dma_semaphore, #tpu.memory_space<semaphore_mem>>) src(%dma_wait3A_25 : memref<128xi32, #tpu.memory_space<hbm>>) dst(%arg8 : memref<128xi32, #tpu.memory_space<vmem>>)
    %dma_wait3A_26 = arith.constant 0 : i32
    %dma_wait3A_27 = tpu.memref_slice %arg4[%dma_wait3A_26] : memref<172032xi32, #tpu.memory_space<hbm>> -> memref<128xi32, #tpu.memory_space<hbm>>
    %dma_wait3A_28 = arith.constant 0 : i32
    %dma_wait3A_29 = tpu.memref_slice %arg4[%dma_wait3A_28] : memref<172032xi32, #tpu.memory_space<hbm>> -> memref<128xi32, #tpu.memory_space<hbm>>
    tpu.wait_dma2 semaphore(%arg16 : memref<!tpu.dma_semaphore, #tpu.memory_space<semaphore_mem>>) src(%dma_wait3A_29 : memref<128xi32, #tpu.memory_space<hbm>>) dst(%arg10 : memref<128xi32, #tpu.memory_space<vmem>>)
    %dma_wait3A_30 = arith.constant 0 : i32
    %dma_wait3A_31 = tpu.memref_slice %arg3[%dma_wait3A_30] : memref<172032xi32, #tpu.memory_space<hbm>> -> memref<128xi32, #tpu.memory_space<hbm>>
    %dma_wait3A_32 = arith.constant 0 : i32
    %dma_wait3A_33 = tpu.memref_slice %arg3[%dma_wait3A_32] : memref<172032xi32, #tpu.memory_space<hbm>> -> memref<128xi32, #tpu.memory_space<hbm>>
    tpu.wait_dma2 semaphore(%arg15 : memref<!tpu.dma_semaphore, #tpu.memory_space<semaphore_mem>>) src(%dma_wait3A_33 : memref<128xi32, #tpu.memory_space<hbm>>) dst(%arg9 : memref<128xi32, #tpu.memory_space<vmem>>)
    %dma_wait3A_34 = arith.constant 0 : i32
    %dma_wait3A_35 = tpu.memref_slice %arg4[%dma_wait3A_34] : memref<172032xi32, #tpu.memory_space<hbm>> -> memref<128xi32, #tpu.memory_space<hbm>>
    %dma_wait3A_36 = arith.constant 0 : i32
    %dma_wait3A_37 = tpu.memref_slice %arg4[%dma_wait3A_36] : memref<172032xi32, #tpu.memory_space<hbm>> -> memref<128xi32, #tpu.memory_space<hbm>>
    tpu.wait_dma2 semaphore(%arg17 : memref<!tpu.dma_semaphore, #tpu.memory_space<semaphore_mem>>) src(%dma_wait3A_37 : memref<128xi32, #tpu.memory_space<hbm>>) dst(%arg11 : memref<128xi32, #tpu.memory_space<vmem>>)
    %barrier3A_38 = arith.constant 0 : index
    tpu.barrier barrier_id(%barrier3A_38)
    %mul3A_39 = arith.constant 10240 : i32
    %mul3A_40 = arith.muli %arg0, %mul3A_39 : i32
    %add3A_41 = arith.addi %mul3A_40, %mul3A_2 : i32
    "tpu.region"() ({
      %run_scoped3A = tpu.sem_alloc : memref<!tpu.dma_semaphore, #tpu.memory_space<semaphore_mem>>
      %dma_start3A_42 = arith.constant 0 : i32
      %dma_start3A_43 = tpu.memref_slice %arg6[%add3A_41, %dma_start3A_42] : memref<20480x128xf32, #tpu.memory_space<hbm>> -> memref<640x128xf32, #tpu.memory_space<hbm>>
      %dma_start3A_44 = arith.constant 0 : i32
      %dma_start3A_45 = tpu.memref_slice %arg7[%mul3A_2, %dma_start3A_44] : memref<10240x128xf32, #tpu.memory_space<vmem_shared>> -> memref<640x128xf32, #tpu.memory_space<vmem_shared>>
      tpu.enqueue_dma source(%dma_start3A_45 : memref<640x128xf32, #tpu.memory_space<vmem_shared>>) target(%dma_start3A_43 : memref<640x128xf32, #tpu.memory_space<hbm>>) target_semaphore(%run_scoped3A : memref<!tpu.dma_semaphore, #tpu.memory_space<semaphore_mem>>)
      %dma_wait3A_46 = arith.constant 0 : i32
      %dma_wait3A_47 = tpu.memref_slice %arg6[%add3A_41, %dma_wait3A_46] : memref<20480x128xf32, #tpu.memory_space<hbm>> -> memref<640x128xf32, #tpu.memory_space<hbm>>
      %dma_wait3A_48 = arith.constant 0 : i32
      %dma_wait3A_49 = tpu.memref_slice %arg7[%mul3A_2, %dma_wait3A_48] : memref<10240x128xf32, #tpu.memory_space<vmem_shared>> -> memref<640x128xf32, #tpu.memory_space<vmem_shared>>
      tpu.wait_dma2 semaphore(%run_scoped3A : memref<!tpu.dma_semaphore, #tpu.memory_space<semaphore_mem>>) src(%dma_wait3A_49 : memref<640x128xf32, #tpu.memory_space<vmem_shared>>) dst(%dma_wait3A_47 : memref<640x128xf32, #tpu.memory_space<hbm>>)
      tpu.yield
    }) : () -> ()
    return
  }
}

#map = affine_map<(d0, d1) -> (0, 0)>
#map1 = affine_map<(d0, d1) -> (0)>
module attributes {stable_mosaic.version = 14 : i64} {
  func.func @body(%arg0: i32, %arg1: i32, %arg2: memref<10240x128xf32, #tpu.memory_space<hbm>>, %arg3: memref<172032xi32, #tpu.memory_space<hbm>>, %arg4: memref<172032xi32, #tpu.memory_space<hbm>>, %arg5: memref<640x128xf32, #tpu.memory_space<hbm>>, %arg6: memref<20480x128xf32, #tpu.memory_space<hbm>>, %arg7: memref<10240x128xf32, #tpu.memory_space<vmem_shared>>, %arg8: memref<128xi32, #tpu.memory_space<vmem>>, %arg9: memref<128xi32, #tpu.memory_space<vmem>>, %arg10: memref<128xi32, #tpu.memory_space<vmem>>, %arg11: memref<128xi32, #tpu.memory_space<vmem>>, %arg12: memref<128x128xf32, #tpu.memory_space<vmem>>, %arg13: memref<128x128xf32, #tpu.memory_space<vmem>>, %arg14: memref<!tpu.dma_semaphore, #tpu.memory_space<semaphore_mem>>, %arg15: memref<!tpu.dma_semaphore, #tpu.memory_space<semaphore_mem>>, %arg16: memref<!tpu.dma_semaphore, #tpu.memory_space<semaphore_mem>>, %arg17: memref<!tpu.dma_semaphore, #tpu.memory_space<semaphore_mem>>, %arg18: memref<!tpu.dma_semaphore, #tpu.memory_space<semaphore_mem>>, %arg19: memref<!tpu.dma_semaphore, #tpu.memory_space<semaphore_mem>>) attributes {dimension_semantics = [#tpu.dimension_semantics<core_parallel>, #tpu.dimension_semantics<subcore_parallel>], iteration_bounds = array<i64: 2, 16>, scalar_prefetch = 0 : i64, scratch_operands = 13 : i64, tpu.core_type = #tpu.core_type<sc_vector_subcore>, window_params = [{transform_indices = #map}, {transform_indices = #map1}, {transform_indices = #map1}, {transform_indices = #map}, {transform_indices = #map}]} {
    %mul3A = arith.constant 2 : i32
    %mul3A_0 = arith.muli %arg1, %mul3A : i32
    %add3A = arith.addi %mul3A_0, %arg0 : i32
    %mul3A_1 = arith.constant 640 : i32
    %mul3A_2 = arith.muli %arg1, %mul3A_1 : i32
    %add3A_3 = arith.constant 0 : i32
    %add3A_4 = arith.addi %add3A, %add3A_3 : i32
    %mul3A_5 = arith.constant 128 : i32
    %mul3A_6 = arith.muli %add3A_4, %mul3A_5 : i32
    %dma_start3A = tpu.memref_slice %arg3[%mul3A_6] : memref<172032xi32, #tpu.memory_space<hbm>> -> memref<128xi32, #tpu.memory_space<hbm>>
    %dma_start3A_7 = tpu.memref_slice %arg3[%mul3A_6] : memref<172032xi32, #tpu.memory_space<hbm>> -> memref<128xi32, #tpu.memory_space<hbm>>
    tpu.enqueue_dma source(%dma_start3A_7 : memref<128xi32, #tpu.memory_space<hbm>>) target(%arg8 : memref<128xi32, #tpu.memory_space<vmem>>) target_semaphore(%arg14 : memref<!tpu.dma_semaphore, #tpu.memory_space<semaphore_mem>>)
    %dma_start3A_8 = tpu.memref_slice %arg4[%mul3A_6] : memref<172032xi32, #tpu.memory_space<hbm>> -> memref<128xi32, #tpu.memory_space<hbm>>
    %dma_start3A_9 = tpu.memref_slice %arg4[%mul3A_6] : memref<172032xi32, #tpu.memory_space<hbm>> -> memref<128xi32, #tpu.memory_space<hbm>>
    tpu.enqueue_dma source(%dma_start3A_9 : memref<128xi32, #tpu.memory_space<hbm>>) target(%arg10 : memref<128xi32, #tpu.memory_space<vmem>>) target_semaphore(%arg16 : memref<!tpu.dma_semaphore, #tpu.memory_space<semaphore_mem>>)
    %add3A_10 = arith.constant 32 : i32
    %add3A_11 = arith.addi %add3A, %add3A_10 : i32
    %mul3A_12 = arith.constant 128 : i32
    %mul3A_13 = arith.muli %add3A_11, %mul3A_12 : i32
    %dma_start3A_14 = tpu.memref_slice %arg3[%mul3A_13] : memref<172032xi32, #tpu.memory_space<hbm>> -> memref<128xi32, #tpu.memory_space<hbm>>
    %dma_start3A_15 = tpu.memref_slice %arg3[%mul3A_13] : memref<172032xi32, #tpu.memory_space<hbm>> -> memref<128xi32, #tpu.memory_space<hbm>>
    tpu.enqueue_dma source(%dma_start3A_15 : memref<128xi32, #tpu.memory_space<hbm>>) target(%arg9 : memref<128xi32, #tpu.memory_space<vmem>>) target_semaphore(%arg15 : memref<!tpu.dma_semaphore, #tpu.memory_space<semaphore_mem>>)
    %dma_start3A_16 = tpu.memref_slice %arg4[%mul3A_13] : memref<172032xi32, #tpu.memory_space<hbm>> -> memref<128xi32, #tpu.memory_space<hbm>>
    %dma_start3A_17 = tpu.memref_slice %arg4[%mul3A_13] : memref<172032xi32, #tpu.memory_space<hbm>> -> memref<128xi32, #tpu.memory_space<hbm>>
    tpu.enqueue_dma source(%dma_start3A_17 : memref<128xi32, #tpu.memory_space<hbm>>) target(%arg11 : memref<128xi32, #tpu.memory_space<vmem>>) target_semaphore(%arg17 : memref<!tpu.dma_semaphore, #tpu.memory_space<semaphore_mem>>)
    "tpu.region"() ({
      %run_scoped3A = tpu.sem_alloc : memref<!tpu.dma_semaphore, #tpu.memory_space<semaphore_mem>>
      %dma_start3A_42 = arith.constant 0 : i32
      %dma_start3A_43 = tpu.memref_slice %arg7[%mul3A_2, %dma_start3A_42] : memref<10240x128xf32, #tpu.memory_space<vmem_shared>> -> memref<640x128xf32, #tpu.memory_space<vmem_shared>>
      tpu.enqueue_dma source(%arg5 : memref<640x128xf32, #tpu.memory_space<hbm>>) target(%dma_start3A_43 : memref<640x128xf32, #tpu.memory_space<vmem_shared>>) target_semaphore(%run_scoped3A : memref<!tpu.dma_semaphore, #tpu.memory_space<semaphore_mem>>)
      %dma_wait3A_44 = arith.constant 0 : i32
      %dma_wait3A_45 = tpu.memref_slice %arg7[%mul3A_2, %dma_wait3A_44] : memref<10240x128xf32, #tpu.memory_space<vmem_shared>> -> memref<640x128xf32, #tpu.memory_space<vmem_shared>>
      tpu.wait_dma2 semaphore(%run_scoped3A : memref<!tpu.dma_semaphore, #tpu.memory_space<semaphore_mem>>) src(%arg5 : memref<640x128xf32, #tpu.memory_space<hbm>>) dst(%dma_wait3A_45 : memref<640x128xf32, #tpu.memory_space<vmem_shared>>)
      tpu.yield
    }) : () -> ()
    %barrier3A = arith.constant 0 : index
    tpu.barrier barrier_id(%barrier3A)
    %scan3A = arith.constant 0 : i32
    %scan3A_18 = arith.constant 0 : i32
    %scan3A_19 = arith.constant 20 : i32
    %scan3A_20 = arith.addi %scan3A_18, %scan3A_19 : i32
    %scan3A_21 = arith.constant 1 : i32
    scf.for %scan3A_42 = %scan3A_18 to %scan3A_20 step %scan3A_21  : i32 {
      %mul3A_43 = arith.constant 2 : i32
      %mul3A_44 = arith.muli %scan3A_42, %mul3A_43 : i32
      %dma_wait3A_45 = arith.constant 0 : i32
      %dma_wait3A_46 = tpu.memref_slice %arg3[%dma_wait3A_45] : memref<172032xi32, #tpu.memory_space<hbm>> -> memref<128xi32, #tpu.memory_space<hbm>>
      %dma_wait3A_47 = arith.constant 0 : i32
      %dma_wait3A_48 = tpu.memref_slice %arg3[%dma_wait3A_47] : memref<172032xi32, #tpu.memory_space<hbm>> -> memref<128xi32, #tpu.memory_space<hbm>>
      tpu.wait_dma2 semaphore(%arg14 : memref<!tpu.dma_semaphore, #tpu.memory_space<semaphore_mem>>) src(%dma_wait3A_48 : memref<128xi32, #tpu.memory_space<hbm>>) dst(%arg8 : memref<128xi32, #tpu.memory_space<vmem>>)
      %dma_wait3A_49 = arith.constant 0 : i32
      %dma_wait3A_50 = tpu.memref_slice %arg4[%dma_wait3A_49] : memref<172032xi32, #tpu.memory_space<hbm>> -> memref<128xi32, #tpu.memory_space<hbm>>
      %dma_wait3A_51 = arith.constant 0 : i32
      %dma_wait3A_52 = tpu.memref_slice %arg4[%dma_wait3A_51] : memref<172032xi32, #tpu.memory_space<hbm>> -> memref<128xi32, #tpu.memory_space<hbm>>
      tpu.wait_dma2 semaphore(%arg16 : memref<!tpu.dma_semaphore, #tpu.memory_space<semaphore_mem>>) src(%dma_wait3A_52 : memref<128xi32, #tpu.memory_space<hbm>>) dst(%arg10 : memref<128xi32, #tpu.memory_space<vmem>>)
      %dma_start3A_53 = arith.constant 0 : i32
      %dma_start3A_54 = arith.constant 0 : i32
      %dma_start3A_55 = tpu.memref_slice %arg2[%dma_start3A_53, %dma_start3A_54] : memref<10240x128xf32, #tpu.memory_space<hbm>> -> memref<10240x128xf32, #tpu.memory_space<hbm>>
      tpu.enqueue_indirect_dma source(%dma_start3A_55 : memref<10240x128xf32, #tpu.memory_space<hbm>>) target(%arg12 : memref<128x128xf32, #tpu.memory_space<vmem>>) offsets(%arg8 : memref<128xi32, #tpu.memory_space<vmem>>) semaphore(%arg18 : memref<!tpu.dma_semaphore, #tpu.memory_space<semaphore_mem>>)
      %dma_wait3A_56 = arith.constant 0 : i32
      %dma_wait3A_57 = tpu.memref_slice %arg3[%dma_wait3A_56] : memref<172032xi32, #tpu.memory_space<hbm>> -> memref<128xi32, #tpu.memory_space<hbm>>
      %dma_wait3A_58 = arith.constant 0 : i32
      %dma_wait3A_59 = tpu.memref_slice %arg3[%dma_wait3A_58] : memref<172032xi32, #tpu.memory_space<hbm>> -> memref<128xi32, #tpu.memory_space<hbm>>
      tpu.wait_dma2 semaphore(%arg15 : memref<!tpu.dma_semaphore, #tpu.memory_space<semaphore_mem>>) src(%dma_wait3A_59 : memref<128xi32, #tpu.memory_space<hbm>>) dst(%arg9 : memref<128xi32, #tpu.memory_space<vmem>>)
      %dma_wait3A_60 = arith.constant 0 : i32
      %dma_wait3A_61 = tpu.memref_slice %arg4[%dma_wait3A_60] : memref<172032xi32, #tpu.memory_space<hbm>> -> memref<128xi32, #tpu.memory_space<hbm>>
      %dma_wait3A_62 = arith.constant 0 : i32
      %dma_wait3A_63 = tpu.memref_slice %arg4[%dma_wait3A_62] : memref<172032xi32, #tpu.memory_space<hbm>> -> memref<128xi32, #tpu.memory_space<hbm>>
      tpu.wait_dma2 semaphore(%arg17 : memref<!tpu.dma_semaphore, #tpu.memory_space<semaphore_mem>>) src(%dma_wait3A_63 : memref<128xi32, #tpu.memory_space<hbm>>) dst(%arg11 : memref<128xi32, #tpu.memory_space<vmem>>)
      %dma_start3A_64 = arith.constant 0 : i32
      %dma_start3A_65 = arith.constant 0 : i32
      %dma_start3A_66 = tpu.memref_slice %arg2[%dma_start3A_64, %dma_start3A_65] : memref<10240x128xf32, #tpu.memory_space<hbm>> -> memref<10240x128xf32, #tpu.memory_space<hbm>>
      tpu.enqueue_indirect_dma source(%dma_start3A_66 : memref<10240x128xf32, #tpu.memory_space<hbm>>) target(%arg13 : memref<128x128xf32, #tpu.memory_space<vmem>>) offsets(%arg9 : memref<128xi32, #tpu.memory_space<vmem>>) semaphore(%arg19 : memref<!tpu.dma_semaphore, #tpu.memory_space<semaphore_mem>>)
      %dma_wait3A_67 = arith.constant 0 : i32
      %dma_wait3A_68 = arith.constant 0 : i32
      %dma_wait3A_69 = tpu.memref_slice %arg2[%dma_wait3A_67, %dma_wait3A_68] : memref<10240x128xf32, #tpu.memory_space<hbm>> -> memref<10240x128xf32, #tpu.memory_space<hbm>>
      tpu.wait_indirect_dma semaphore(%arg18 : memref<!tpu.dma_semaphore, #tpu.memory_space<semaphore_mem>>) src(%dma_wait3A_69 : memref<10240x128xf32, #tpu.memory_space<hbm>>) dst(%arg12 : memref<128x128xf32, #tpu.memory_space<vmem>>)
      "tpu.region"() ({
        %run_scoped3A = tpu.sem_alloc : memref<!tpu.dma_semaphore, #tpu.memory_space<semaphore_mem>>
        %dma_start3A_99 = arith.constant 0 : i32
        %dma_start3A_100 = arith.constant 0 : i32
        %dma_start3A_101 = tpu.memref_slice %arg7[%dma_start3A_99, %dma_start3A_100] : memref<10240x128xf32, #tpu.memory_space<vmem_shared>> -> memref<10240x128xf32, #tpu.memory_space<vmem_shared>>
        tpu.enqueue_indirect_dma source(%arg12 : memref<128x128xf32, #tpu.memory_space<vmem>>) target(%dma_start3A_101 : memref<10240x128xf32, #tpu.memory_space<vmem_shared>>) offsets(%arg10 : memref<128xi32, #tpu.memory_space<vmem>>) semaphore(%run_scoped3A : memref<!tpu.dma_semaphore, #tpu.memory_space<semaphore_mem>>) {add = true}
        %dma_wait3A_102 = arith.constant 0 : i32
        %dma_wait3A_103 = arith.constant 0 : i32
        %dma_wait3A_104 = tpu.memref_slice %arg7[%dma_wait3A_102, %dma_wait3A_103] : memref<10240x128xf32, #tpu.memory_space<vmem_shared>> -> memref<10240x128xf32, #tpu.memory_space<vmem_shared>>
        tpu.wait_indirect_dma semaphore(%run_scoped3A : memref<!tpu.dma_semaphore, #tpu.memory_space<semaphore_mem>>) src(%arg12 : memref<128x128xf32, #tpu.memory_space<vmem>>) dst(%dma_wait3A_104 : memref<10240x128xf32, #tpu.memory_space<vmem_shared>>)
        tpu.yield
      }) : () -> ()
      %add3A_70 = arith.constant 2 : i32
      %add3A_71 = arith.addi %mul3A_44, %add3A_70 : i32
      %add3A_72 = arith.constant 0 : i32
      %add3A_73 = arith.addi %add3A_71, %add3A_72 : i32
      %mul3A_74 = arith.constant 32 : i32
      %mul3A_75 = arith.muli %add3A_73, %mul3A_74 : i32
      %add3A_76 = arith.addi %add3A, %mul3A_75 : i32
      %mul3A_77 = arith.constant 128 : i32
      %mul3A_78 = arith.muli %add3A_76, %mul3A_77 : i32
      %dma_start3A_79 = tpu.memref_slice %arg3[%mul3A_78] : memref<172032xi32, #tpu.memory_space<hbm>> -> memref<128xi32, #tpu.memory_space<hbm>>
      %dma_start3A_80 = tpu.memref_slice %arg3[%mul3A_78] : memref<172032xi32, #tpu.memory_space<hbm>> -> memref<128xi32, #tpu.memory_space<hbm>>
      tpu.enqueue_dma source(%dma_start3A_80 : memref<128xi32, #tpu.memory_space<hbm>>) target(%arg8 : memref<128xi32, #tpu.memory_space<vmem>>) target_semaphore(%arg14 : memref<!tpu.dma_semaphore, #tpu.memory_space<semaphore_mem>>)
      %dma_start3A_81 = tpu.memref_slice %arg4[%mul3A_78] : memref<172032xi32, #tpu.memory_space<hbm>> -> memref<128xi32, #tpu.memory_space<hbm>>
      %dma_start3A_82 = tpu.memref_slice %arg4[%mul3A_78] : memref<172032xi32, #tpu.memory_space<hbm>> -> memref<128xi32, #tpu.memory_space<hbm>>
      tpu.enqueue_dma source(%dma_start3A_82 : memref<128xi32, #tpu.memory_space<hbm>>) target(%arg10 : memref<128xi32, #tpu.memory_space<vmem>>) target_semaphore(%arg16 : memref<!tpu.dma_semaphore, #tpu.memory_space<semaphore_mem>>)
      %dma_wait3A_83 = arith.constant 0 : i32
      %dma_wait3A_84 = arith.constant 0 : i32
      %dma_wait3A_85 = tpu.memref_slice %arg2[%dma_wait3A_83, %dma_wait3A_84] : memref<10240x128xf32, #tpu.memory_space<hbm>> -> memref<10240x128xf32, #tpu.memory_space<hbm>>
      tpu.wait_indirect_dma semaphore(%arg19 : memref<!tpu.dma_semaphore, #tpu.memory_space<semaphore_mem>>) src(%dma_wait3A_85 : memref<10240x128xf32, #tpu.memory_space<hbm>>) dst(%arg13 : memref<128x128xf32, #tpu.memory_space<vmem>>)
      "tpu.region"() ({
        %run_scoped3A = tpu.sem_alloc : memref<!tpu.dma_semaphore, #tpu.memory_space<semaphore_mem>>
        %dma_start3A_99 = arith.constant 0 : i32
        %dma_start3A_100 = arith.constant 0 : i32
        %dma_start3A_101 = tpu.memref_slice %arg7[%dma_start3A_99, %dma_start3A_100] : memref<10240x128xf32, #tpu.memory_space<vmem_shared>> -> memref<10240x128xf32, #tpu.memory_space<vmem_shared>>
        tpu.enqueue_indirect_dma source(%arg13 : memref<128x128xf32, #tpu.memory_space<vmem>>) target(%dma_start3A_101 : memref<10240x128xf32, #tpu.memory_space<vmem_shared>>) offsets(%arg11 : memref<128xi32, #tpu.memory_space<vmem>>) semaphore(%run_scoped3A : memref<!tpu.dma_semaphore, #tpu.memory_space<semaphore_mem>>) {add = true}
        %dma_wait3A_102 = arith.constant 0 : i32
        %dma_wait3A_103 = arith.constant 0 : i32
        %dma_wait3A_104 = tpu.memref_slice %arg7[%dma_wait3A_102, %dma_wait3A_103] : memref<10240x128xf32, #tpu.memory_space<vmem_shared>> -> memref<10240x128xf32, #tpu.memory_space<vmem_shared>>
        tpu.wait_indirect_dma semaphore(%run_scoped3A : memref<!tpu.dma_semaphore, #tpu.memory_space<semaphore_mem>>) src(%arg13 : memref<128x128xf32, #tpu.memory_space<vmem>>) dst(%dma_wait3A_104 : memref<10240x128xf32, #tpu.memory_space<vmem_shared>>)
        tpu.yield
      }) : () -> ()
      %add3A_86 = arith.constant 2 : i32
      %add3A_87 = arith.addi %mul3A_44, %add3A_86 : i32
      %add3A_88 = arith.constant 1 : i32
      %add3A_89 = arith.addi %add3A_87, %add3A_88 : i32
      %mul3A_90 = arith.constant 32 : i32
      %mul3A_91 = arith.muli %add3A_89, %mul3A_90 : i32
      %add3A_92 = arith.addi %add3A, %mul3A_91 : i32
      %mul3A_93 = arith.constant 128 : i32
      %mul3A_94 = arith.muli %add3A_92, %mul3A_93 : i32
      %dma_start3A_95 = tpu.memref_slice %arg3[%mul3A_94] : memref<172032xi32, #tpu.memory_space<hbm>> -> memref<128xi32, #tpu.memory_space<hbm>>
      %dma_start3A_96 = tpu.memref_slice %arg3[%mul3A_94] : memref<172032xi32, #tpu.memory_space<hbm>> -> memref<128xi32, #tpu.memory_space<hbm>>
      tpu.enqueue_dma source(%dma_start3A_96 : memref<128xi32, #tpu.memory_space<hbm>>) target(%arg9 : memref<128xi32, #tpu.memory_space<vmem>>) target_semaphore(%arg15 : memref<!tpu.dma_semaphore, #tpu.memory_space<semaphore_mem>>)
      %dma_start3A_97 = tpu.memref_slice %arg4[%mul3A_94] : memref<172032xi32, #tpu.memory_space<hbm>> -> memref<128xi32, #tpu.memory_space<hbm>>
      %dma_start3A_98 = tpu.memref_slice %arg4[%mul3A_94] : memref<172032xi32, #tpu.memory_space<hbm>> -> memref<128xi32, #tpu.memory_space<hbm>>
      tpu.enqueue_dma source(%dma_start3A_98 : memref<128xi32, #tpu.memory_space<hbm>>) target(%arg11 : memref<128xi32, #tpu.memory_space<vmem>>) target_semaphore(%arg17 : memref<!tpu.dma_semaphore, #tpu.memory_space<semaphore_mem>>)
    }
    %scan3A_22 = arith.constant 20 : i32
    %dma_wait3A = arith.constant 0 : i32
    %dma_wait3A_23 = tpu.memref_slice %arg3[%dma_wait3A] : memref<172032xi32, #tpu.memory_space<hbm>> -> memref<128xi32, #tpu.memory_space<hbm>>
    %dma_wait3A_24 = arith.constant 0 : i32
    %dma_wait3A_25 = tpu.memref_slice %arg3[%dma_wait3A_24] : memref<172032xi32, #tpu.memory_space<hbm>> -> memref<128xi32, #tpu.memory_space<hbm>>
    tpu.wait_dma2 semaphore(%arg14 : memref<!tpu.dma_semaphore, #tpu.memory_space<semaphore_mem>>) src(%dma_wait3A_25 : memref<128xi32, #tpu.memory_space<hbm>>) dst(%arg8 : memref<128xi32, #tpu.memory_space<vmem>>)
    %dma_wait3A_26 = arith.constant 0 : i32
    %dma_wait3A_27 = tpu.memref_slice %arg4[%dma_wait3A_26] : memref<172032xi32, #tpu.memory_space<hbm>> -> memref<128xi32, #tpu.memory_space<hbm>>
    %dma_wait3A_28 = arith.constant 0 : i32
    %dma_wait3A_29 = tpu.memref_slice %arg4[%dma_wait3A_28] : memref<172032xi32, #tpu.memory_space<hbm>> -> memref<128xi32, #tpu.memory_space<hbm>>
    tpu.wait_dma2 semaphore(%arg16 : memref<!tpu.dma_semaphore, #tpu.memory_space<semaphore_mem>>) src(%dma_wait3A_29 : memref<128xi32, #tpu.memory_space<hbm>>) dst(%arg10 : memref<128xi32, #tpu.memory_space<vmem>>)
    %dma_wait3A_30 = arith.constant 0 : i32
    %dma_wait3A_31 = tpu.memref_slice %arg3[%dma_wait3A_30] : memref<172032xi32, #tpu.memory_space<hbm>> -> memref<128xi32, #tpu.memory_space<hbm>>
    %dma_wait3A_32 = arith.constant 0 : i32
    %dma_wait3A_33 = tpu.memref_slice %arg3[%dma_wait3A_32] : memref<172032xi32, #tpu.memory_space<hbm>> -> memref<128xi32, #tpu.memory_space<hbm>>
    tpu.wait_dma2 semaphore(%arg15 : memref<!tpu.dma_semaphore, #tpu.memory_space<semaphore_mem>>) src(%dma_wait3A_33 : memref<128xi32, #tpu.memory_space<hbm>>) dst(%arg9 : memref<128xi32, #tpu.memory_space<vmem>>)
    %dma_wait3A_34 = arith.constant 0 : i32
    %dma_wait3A_35 = tpu.memref_slice %arg4[%dma_wait3A_34] : memref<172032xi32, #tpu.memory_space<hbm>> -> memref<128xi32, #tpu.memory_space<hbm>>
    %dma_wait3A_36 = arith.constant 0 : i32
    %dma_wait3A_37 = tpu.memref_slice %arg4[%dma_wait3A_36] : memref<172032xi32, #tpu.memory_space<hbm>> -> memref<128xi32, #tpu.memory_space<hbm>>
    tpu.wait_dma2 semaphore(%arg17 : memref<!tpu.dma_semaphore, #tpu.memory_space<semaphore_mem>>) src(%dma_wait3A_37 : memref<128xi32, #tpu.memory_space<hbm>>) dst(%arg11 : memref<128xi32, #tpu.memory_space<vmem>>)
    %barrier3A_38 = arith.constant 0 : index
    tpu.barrier barrier_id(%barrier3A_38)
    %mul3A_39 = arith.constant 10240 : i32
    %mul3A_40 = arith.muli %arg0, %mul3A_39 : i32
    %add3A_41 = arith.addi %mul3A_40, %mul3A_2 : i32
    "tpu.region"() ({
      %run_scoped3A = tpu.sem_alloc : memref<!tpu.dma_semaphore, #tpu.memory_space<semaphore_mem>>
      %dma_start3A_42 = arith.constant 0 : i32
      %dma_start3A_43 = tpu.memref_slice %arg6[%add3A_41, %dma_start3A_42] : memref<20480x128xf32, #tpu.memory_space<hbm>> -> memref<640x128xf32, #tpu.memory_space<hbm>>
      %dma_start3A_44 = arith.constant 0 : i32
      %dma_start3A_45 = tpu.memref_slice %arg7[%mul3A_2, %dma_start3A_44] : memref<10240x128xf32, #tpu.memory_space<vmem_shared>> -> memref<640x128xf32, #tpu.memory_space<vmem_shared>>
      tpu.enqueue_dma source(%dma_start3A_45 : memref<640x128xf32, #tpu.memory_space<vmem_shared>>) target(%dma_start3A_43 : memref<640x128xf32, #tpu.memory_space<hbm>>) target_semaphore(%run_scoped3A : memref<!tpu.dma_semaphore, #tpu.memory_space<semaphore_mem>>)
      %dma_wait3A_46 = arith.constant 0 : i32
      %dma_wait3A_47 = tpu.memref_slice %arg6[%add3A_41, %dma_wait3A_46] : memref<20480x128xf32, #tpu.memory_space<hbm>> -> memref<640x128xf32, #tpu.memory_space<hbm>>
      %dma_wait3A_48 = arith.constant 0 : i32
      %dma_wait3A_49 = tpu.memref_slice %arg7[%mul3A_2, %dma_wait3A_48] : memref<10240x128xf32, #tpu.memory_space<vmem_shared>> -> memref<640x128xf32, #tpu.memory_space<vmem_shared>>
      tpu.wait_dma2 semaphore(%run_scoped3A : memref<!tpu.dma_semaphore, #tpu.memory_space<semaphore_mem>>) src(%dma_wait3A_49 : memref<640x128xf32, #tpu.memory_space<vmem_shared>>) dst(%dma_wait3A_47 : memref<640x128xf32, #tpu.memory_space<hbm>>)
      tpu.yield
    }) : () -> ()
    return
  }
}

module attributes {stable_mosaic.version = 14 : i64} {
  func.func @body(%arg0: i32, %arg1: memref<256x256xf32, #tpu.memory_space<vmem>>, %arg2: memref<256x128xf32, #tpu.memory_space<vmem>>, %arg3: memref<1x128xf32, #tpu.memory_space<vmem>>, %arg4: memref<256x128xf32, #tpu.memory_space<vmem>>, %arg5: memref<256x128xf32, #tpu.memory_space<vmem>>, %arg6: memref<256x128xf32, #tpu.memory_space<vmem>>) attributes {dimension_semantics = [#tpu.dimension_semantics<arbitrary>], iteration_bounds = array<i64: 40>, scalar_prefetch = 0 : i64, scratch_operands = 0 : i64, tpu.core_type = #tpu.core_type<tc>, window_params = [{transform_indices = @transform_0, window_bounds = array<i64: 256, 256>}, {pipeline_mode = #tpu.pipeline_mode<synchronous>, transform_indices = @transform_1, window_bounds = array<i64: 256, 128>}, {pipeline_mode = #tpu.pipeline_mode<synchronous>, transform_indices = @transform_2, window_bounds = array<i64: 1, 128>}, {pipeline_mode = #tpu.pipeline_mode<synchronous>, transform_indices = @transform_3, window_bounds = array<i64: 256, 128>}, {transform_indices = @transform_4, window_bounds = array<i64: 256, 128>}, {transform_indices = @transform_5, window_bounds = array<i64: 256, 128>}]} {
    %get3A = arith.constant 0 : index
    %get3A_0 = arith.constant 0 : index
    %get3A_1 = vector.load %arg1[%get3A, %get3A_0] : memref<256x256xf32, #tpu.memory_space<vmem>>, vector<256x256xf32>
    %get3A_2 = arith.constant 0 : index
    %get3A_3 = arith.constant 0 : index
    %get3A_4 = vector.load %arg2[%get3A_2, %get3A_3] : memref<256x128xf32, #tpu.memory_space<vmem>>, vector<256x128xf32>
    %dot_general3A = arith.constant dense<0.000000e+00> : vector<256x128xf32>
    %dot_general3A_5 = tpu.matmul %get3A_1, %get3A_4, %dot_general3A {dimension_numbers = #tpu.dot_dimension_numbers<[1], [0], [0], [1], [0, 0, 1, 1], [], []>, transpose_lhs_hint = false} : vector<256x256xf32>, vector<256x128xf32>, vector<256x128xf32> -> vector<256x128xf32>
    %get3A_6 = arith.constant 0 : index
    %get3A_7 = arith.constant 0 : index
    %get3A_8 = vector.load %arg3[%get3A_6, %get3A_7] : memref<1x128xf32, #tpu.memory_space<vmem>>, vector<1x128xf32>
    %add3A = vector.broadcast %get3A_8 : vector<1x128xf32> to vector<256x128xf32>
    %add3A_9 = arith.addf %dot_general3A_5, %add3A : vector<256x128xf32>
    %max3A = arith.constant 0.000000e+00 : f32
    %max3A_10 = vector.broadcast %max3A : f32 to vector<256x128xf32>
    %max3A_11 = arith.maximumf %add3A_9, %max3A_10 : vector<256x128xf32>
    %swap3A = arith.constant 0 : index
    %swap3A_12 = arith.constant 0 : index
    %swap3A_13 = vector.load %arg5[%swap3A, %swap3A_12] : memref<256x128xf32, #tpu.memory_space<vmem>>, vector<256x128xf32>
    tpu.vector_store %arg5[%swap3A, %swap3A_12], %max3A_11 {strides = array<i32>} : memref<256x128xf32, #tpu.memory_space<vmem>>, vector<256x128xf32>,
    %get3A_14 = arith.constant 0 : index
    %get3A_15 = arith.constant 0 : index
    %get3A_16 = vector.load %arg4[%get3A_14, %get3A_15] : memref<256x128xf32, #tpu.memory_space<vmem>>, vector<256x128xf32>
    %dot_general3A_17 = arith.constant dense<0.000000e+00> : vector<256x128xf32>
    %dot_general3A_18 = tpu.matmul %get3A_1, %get3A_16, %dot_general3A_17 {dimension_numbers = #tpu.dot_dimension_numbers<[1], [0], [0], [1], [0, 0, 1, 1], [], []>, transpose_lhs_hint = false} : vector<256x256xf32>, vector<256x128xf32>, vector<256x128xf32> -> vector<256x128xf32>
    %swap3A_19 = arith.constant 0 : index
    %swap3A_20 = arith.constant 0 : index
    %swap3A_21 = vector.load %arg6[%swap3A_19, %swap3A_20] : memref<256x128xf32, #tpu.memory_space<vmem>>, vector<256x128xf32>
    tpu.vector_store %arg6[%swap3A_19, %swap3A_20], %dot_general3A_18 {strides = array<i32>} : memref<256x128xf32, #tpu.memory_space<vmem>>, vector<256x128xf32>,
    return
  }
  func.func @transform_0(%arg0: i32) -> (i32, i32) {
    %c0_i32 = arith.constant 0 : i32
    %c0_i32_0 = arith.constant 0 : i32
    return %arg0, %c0_i32 : i32, i32
  }
  func.func @transform_1(%arg0: i32) -> (i32, i32) {
    %c0_i32 = arith.constant 0 : i32
    %c0_i32_0 = arith.constant 0 : i32
    %c0_i32_1 = arith.constant 0 : i32
    return %c0_i32, %c0_i32_0 : i32, i32
  }
  func.func @transform_2(%arg0: i32) -> (i32, i32) {
    %c0_i32 = arith.constant 0 : i32
    %c0_i32_0 = arith.constant 0 : i32
    %c0_i32_1 = arith.constant 0 : i32
    return %c0_i32, %c0_i32_0 : i32, i32
  }
  func.func @transform_3(%arg0: i32) -> (i32, i32) {
    %c0_i32 = arith.constant 0 : i32
    %c0_i32_0 = arith.constant 0 : i32
    %c0_i32_1 = arith.constant 0 : i32
    return %c0_i32, %c0_i32_0 : i32, i32
  }
  func.func @transform_4(%arg0: i32) -> (i32, i32) {
    %c0_i32 = arith.constant 0 : i32
    %c0_i32_0 = arith.constant 0 : i32
    return %arg0, %c0_i32 : i32, i32
  }
  func.func @transform_5(%arg0: i32) -> (i32, i32) {
    %c0_i32 = arith.constant 0 : i32
    %c0_i32_0 = arith.constant 0 : i32
    return %arg0, %c0_i32 : i32, i32
  }
}

module attributes {stable_mosaic.version = 14 : i64} {
  func.func @body(%arg0: i32, %arg1: memref<256x128xf32, #tpu.memory_space<vmem>>, %arg2: memref<256x128xf32, #tpu.memory_space<vmem>>, %arg3: memref<256x128xf32, #tpu.memory_space<vmem>>, %arg4: memref<256x128xf32, #tpu.memory_space<vmem>>, %arg5: memref<256x128xf32, #tpu.memory_space<vmem>>, %arg6: memref<1x128xf32, #tpu.memory_space<vmem>>, %arg7: memref<256x128xf32, #tpu.memory_space<vmem>>, %arg8: memref<1x128xf32, #tpu.memory_space<vmem>>, %arg9: memref<256x128xf32, #tpu.memory_space<vmem>>, %arg10: memref<256x128xf32, #tpu.memory_space<vmem>>, %arg11: memref<256x128xf32, #tpu.memory_space<vmem>>) attributes {dimension_semantics = [#tpu.dimension_semantics<arbitrary>], iteration_bounds = array<i64: 40>, scalar_prefetch = 0 : i64, scratch_operands = 0 : i64, tpu.core_type = #tpu.core_type<tc>, window_params = [{transform_indices = @transform_0, window_bounds = array<i64: 256, 128>}, {transform_indices = @transform_1, window_bounds = array<i64: 256, 128>}, {transform_indices = @transform_2, window_bounds = array<i64: 256, 128>}, {transform_indices = @transform_3, window_bounds = array<i64: 256, 128>}, {transform_indices = @transform_4, window_bounds = array<i64: 256, 128>}, {pipeline_mode = #tpu.pipeline_mode<synchronous>, transform_indices = @transform_5, window_bounds = array<i64: 1, 128>}, {pipeline_mode = #tpu.pipeline_mode<synchronous>, transform_indices = @transform_6, window_bounds = array<i64: 256, 128>}, {pipeline_mode = #tpu.pipeline_mode<synchronous>, transform_indices = @transform_7, window_bounds = array<i64: 1, 128>}, {pipeline_mode = #tpu.pipeline_mode<synchronous>, transform_indices = @transform_8, window_bounds = array<i64: 256, 128>}, {transform_indices = @transform_9, window_bounds = array<i64: 256, 128>}, {transform_indices = @transform_10, window_bounds = array<i64: 256, 128>}]} {
    %get3A = arith.constant 0 : index
    %get3A_0 = arith.constant 0 : index
    %get3A_1 = vector.load %arg2[%get3A, %get3A_0] : memref<256x128xf32, #tpu.memory_space<vmem>>, vector<256x128xf32>
    %get3A_2 = arith.constant 0 : index
    %get3A_3 = arith.constant 0 : index
    %get3A_4 = vector.load %arg3[%get3A_2, %get3A_3] : memref<256x128xf32, #tpu.memory_space<vmem>>, vector<256x128xf32>
    %get3A_5 = arith.constant 0 : index
    %get3A_6 = arith.constant 0 : index
    %get3A_7 = vector.load %arg4[%get3A_5, %get3A_6] : memref<256x128xf32, #tpu.memory_space<vmem>>, vector<256x128xf32>
    %get3A_8 = arith.constant 0 : index
    %get3A_9 = arith.constant 0 : index
    %get3A_10 = vector.load %arg5[%get3A_8, %get3A_9] : memref<256x128xf32, #tpu.memory_space<vmem>>, vector<256x128xf32>
    %get3A_11 = arith.constant 0 : index
    %get3A_12 = arith.constant 0 : index
    %get3A_13 = vector.load %arg6[%get3A_11, %get3A_12] : memref<1x128xf32, #tpu.memory_space<vmem>>, vector<1x128xf32>
    %add3A = arith.addf %get3A_1, %get3A_4 : vector<256x128xf32>
    %slice3A = vector.extract_strided_slice %get3A_7 {offsets = [0, 0], sizes = [256, 1], strides = [1, 1]} : vector<256x128xf32> to vector<256x1xf32>
    %slice3A_14 = vector.extract_strided_slice %get3A_10 {offsets = [0, 0], sizes = [256, 1], strides = [1, 1]} : vector<256x128xf32> to vector<256x1xf32>
    %add3A_15 = arith.addf %slice3A, %slice3A_14 : vector<256x1xf32>
    %max3A = arith.constant 1.000000e+00 : f32
    %max3A_16 = vector.broadcast %max3A : f32 to vector<256x1xf32>
    %max3A_17 = arith.maximumf %add3A_15, %max3A_16 : vector<256x1xf32>
    %div3A = vector.broadcast %max3A_17 : vector<256x1xf32> to vector<256x128xf32>
    %div3A_18 = arith.divf %add3A, %div3A : vector<256x128xf32>
    %add3A_19 = vector.broadcast %get3A_13 : vector<1x128xf32> to vector<256x128xf32>
    %add3A_20 = arith.addf %div3A_18, %add3A_19 : vector<256x128xf32>
    %max3A_21 = arith.constant 0.000000e+00 : f32
    %max3A_22 = vector.broadcast %max3A_21 : f32 to vector<256x128xf32>
    %max3A_23 = arith.maximumf %add3A_20, %max3A_22 : vector<256x128xf32>
    %get3A_24 = arith.constant 0 : index
    %get3A_25 = arith.constant 0 : index
    %get3A_26 = vector.load %arg1[%get3A_24, %get3A_25] : memref<256x128xf32, #tpu.memory_space<vmem>>, vector<256x128xf32>
    %concatenate3A = tpu.concatenate %get3A_26, %max3A_23 in 1 : vector<256x128xf32>, vector<256x128xf32> -> vector<256x256xf32>
    %get3A_27 = arith.constant 0 : index
    %get3A_28 = arith.constant 0 : index
    %get3A_29 = vector.load %arg7[%get3A_27, %get3A_28] : memref<256x128xf32, #tpu.memory_space<vmem>>, vector<256x128xf32>
    %dot_general3A = arith.constant dense<0.000000e+00> : vector<256x128xf32>
    %dot_general3A_30 = tpu.matmul %concatenate3A, %get3A_29, %dot_general3A {dimension_numbers = #tpu.dot_dimension_numbers<[1], [0], [0], [1], [0, 0, 1, 1], [], []>, transpose_lhs_hint = false} : vector<256x256xf32>, vector<256x128xf32>, vector<256x128xf32> -> vector<256x128xf32>
    %get3A_31 = arith.constant 0 : index
    %get3A_32 = arith.constant 0 : index
    %get3A_33 = vector.load %arg8[%get3A_31, %get3A_32] : memref<1x128xf32, #tpu.memory_space<vmem>>, vector<1x128xf32>
    %add3A_34 = vector.broadcast %get3A_33 : vector<1x128xf32> to vector<256x128xf32>
    %add3A_35 = arith.addf %dot_general3A_30, %add3A_34 : vector<256x128xf32>
    %max3A_36 = arith.constant 0.000000e+00 : f32
    %max3A_37 = vector.broadcast %max3A_36 : f32 to vector<256x128xf32>
    %max3A_38 = arith.maximumf %add3A_35, %max3A_37 : vector<256x128xf32>
    %swap3A = arith.constant 0 : index
    %swap3A_39 = arith.constant 0 : index
    %swap3A_40 = vector.load %arg10[%swap3A, %swap3A_39] : memref<256x128xf32, #tpu.memory_space<vmem>>, vector<256x128xf32>
    tpu.vector_store %arg10[%swap3A, %swap3A_39], %max3A_38 {strides = array<i32>} : memref<256x128xf32, #tpu.memory_space<vmem>>, vector<256x128xf32>,
    %get3A_41 = arith.constant 0 : index
    %get3A_42 = arith.constant 0 : index
    %get3A_43 = vector.load %arg9[%get3A_41, %get3A_42] : memref<256x128xf32, #tpu.memory_space<vmem>>, vector<256x128xf32>
    %dot_general3A_44 = arith.constant dense<0.000000e+00> : vector<256x128xf32>
    %dot_general3A_45 = tpu.matmul %concatenate3A, %get3A_43, %dot_general3A_44 {dimension_numbers = #tpu.dot_dimension_numbers<[1], [0], [0], [1], [0, 0, 1, 1], [], []>, transpose_lhs_hint = false} : vector<256x256xf32>, vector<256x128xf32>, vector<256x128xf32> -> vector<256x128xf32>
    %swap3A_46 = arith.constant 0 : index
    %swap3A_47 = arith.constant 0 : index
    %swap3A_48 = vector.load %arg11[%swap3A_46, %swap3A_47] : memref<256x128xf32, #tpu.memory_space<vmem>>, vector<256x128xf32>
    tpu.vector_store %arg11[%swap3A_46, %swap3A_47], %dot_general3A_45 {strides = array<i32>} : memref<256x128xf32, #tpu.memory_space<vmem>>, vector<256x128xf32>,
    return
  }
  func.func @transform_0(%arg0: i32) -> (i32, i32) {
    %c0_i32 = arith.constant 0 : i32
    %c0_i32_0 = arith.constant 0 : i32
    return %arg0, %c0_i32 : i32, i32
  }
  func.func @transform_1(%arg0: i32) -> (i32, i32) {
    %c0_i32 = arith.constant 0 : i32
    %c0_i32_0 = arith.constant 0 : i32
    return %arg0, %c0_i32 : i32, i32
  }
  func.func @transform_2(%arg0: i32) -> (i32, i32) {
    %c0_i32 = arith.constant 0 : i32
    %c0_i32_0 = arith.constant 0 : i32
    return %arg0, %c0_i32 : i32, i32
  }
  func.func @transform_3(%arg0: i32) -> (i32, i32) {
    %c0_i32 = arith.constant 0 : i32
    %c0_i32_0 = arith.constant 0 : i32
    return %arg0, %c0_i32 : i32, i32
  }
  func.func @transform_4(%arg0: i32) -> (i32, i32) {
    %c0_i32 = arith.constant 0 : i32
    %c0_i32_0 = arith.constant 0 : i32
    return %arg0, %c0_i32 : i32, i32
  }
  func.func @transform_5(%arg0: i32) -> (i32, i32) {
    %c0_i32 = arith.constant 0 : i32
    %c0_i32_0 = arith.constant 0 : i32
    %c0_i32_1 = arith.constant 0 : i32
    return %c0_i32, %c0_i32_0 : i32, i32
  }
  func.func @transform_6(%arg0: i32) -> (i32, i32) {
    %c0_i32 = arith.constant 0 : i32
    %c0_i32_0 = arith.constant 0 : i32
    %c0_i32_1 = arith.constant 0 : i32
    return %c0_i32, %c0_i32_0 : i32, i32
  }
  func.func @transform_7(%arg0: i32) -> (i32, i32) {
    %c0_i32 = arith.constant 0 : i32
    %c0_i32_0 = arith.constant 0 : i32
    %c0_i32_1 = arith.constant 0 : i32
    return %c0_i32, %c0_i32_0 : i32, i32
  }
  func.func @transform_8(%arg0: i32) -> (i32, i32) {
    %c0_i32 = arith.constant 0 : i32
    %c0_i32_0 = arith.constant 0 : i32
    %c0_i32_1 = arith.constant 0 : i32
    return %c0_i32, %c0_i32_0 : i32, i32
  }
  func.func @transform_9(%arg0: i32) -> (i32, i32) {
    %c0_i32 = arith.constant 0 : i32
    %c0_i32_0 = arith.constant 0 : i32
    return %arg0, %c0_i32 : i32, i32
  }
  func.func @transform_10(%arg0: i32) -> (i32, i32) {
    %c0_i32 = arith.constant 0 : i32
    %c0_i32_0 = arith.constant 0 : i32
    return %arg0, %c0_i32 : i32, i32
  }
}

module attributes {stable_mosaic.version = 14 : i64} {
  func.func @body(%arg0: i32, %arg1: memref<256x128xf32, #tpu.memory_space<vmem>>, %arg2: memref<256x128xf32, #tpu.memory_space<vmem>>, %arg3: memref<256x128xf32, #tpu.memory_space<vmem>>, %arg4: memref<256x128xf32, #tpu.memory_space<vmem>>, %arg5: memref<256x128xf32, #tpu.memory_space<vmem>>, %arg6: memref<1x128xf32, #tpu.memory_space<vmem>>, %arg7: memref<256x128xf32, #tpu.memory_space<vmem>>, %arg8: memref<1x128xf32, #tpu.memory_space<vmem>>, %arg9: memref<256x128xf32, #tpu.memory_space<vmem>>) attributes {dimension_semantics = [#tpu.dimension_semantics<arbitrary>], iteration_bounds = array<i64: 40>, scalar_prefetch = 0 : i64, scratch_operands = 0 : i64, tpu.core_type = #tpu.core_type<tc>, window_params = [{transform_indices = @transform_0, window_bounds = array<i64: 256, 128>}, {transform_indices = @transform_1, window_bounds = array<i64: 256, 128>}, {transform_indices = @transform_2, window_bounds = array<i64: 256, 128>}, {transform_indices = @transform_3, window_bounds = array<i64: 256, 128>}, {transform_indices = @transform_4, window_bounds = array<i64: 256, 128>}, {pipeline_mode = #tpu.pipeline_mode<synchronous>, transform_indices = @transform_5, window_bounds = array<i64: 1, 128>}, {pipeline_mode = #tpu.pipeline_mode<synchronous>, transform_indices = @transform_6, window_bounds = array<i64: 256, 128>}, {pipeline_mode = #tpu.pipeline_mode<synchronous>, transform_indices = @transform_7, window_bounds = array<i64: 1, 128>}, {transform_indices = @transform_8, window_bounds = array<i64: 256, 128>}]} {
    %get3A = arith.constant 0 : index
    %get3A_0 = arith.constant 0 : index
    %get3A_1 = vector.load %arg2[%get3A, %get3A_0] : memref<256x128xf32, #tpu.memory_space<vmem>>, vector<256x128xf32>
    %get3A_2 = arith.constant 0 : index
    %get3A_3 = arith.constant 0 : index
    %get3A_4 = vector.load %arg3[%get3A_2, %get3A_3] : memref<256x128xf32, #tpu.memory_space<vmem>>, vector<256x128xf32>
    %get3A_5 = arith.constant 0 : index
    %get3A_6 = arith.constant 0 : index
    %get3A_7 = vector.load %arg4[%get3A_5, %get3A_6] : memref<256x128xf32, #tpu.memory_space<vmem>>, vector<256x128xf32>
    %get3A_8 = arith.constant 0 : index
    %get3A_9 = arith.constant 0 : index
    %get3A_10 = vector.load %arg5[%get3A_8, %get3A_9] : memref<256x128xf32, #tpu.memory_space<vmem>>, vector<256x128xf32>
    %get3A_11 = arith.constant 0 : index
    %get3A_12 = arith.constant 0 : index
    %get3A_13 = vector.load %arg6[%get3A_11, %get3A_12] : memref<1x128xf32, #tpu.memory_space<vmem>>, vector<1x128xf32>
    %add3A = arith.addf %get3A_1, %get3A_4 : vector<256x128xf32>
    %slice3A = vector.extract_strided_slice %get3A_7 {offsets = [0, 0], sizes = [256, 1], strides = [1, 1]} : vector<256x128xf32> to vector<256x1xf32>
    %slice3A_14 = vector.extract_strided_slice %get3A_10 {offsets = [0, 0], sizes = [256, 1], strides = [1, 1]} : vector<256x128xf32> to vector<256x1xf32>
    %add3A_15 = arith.addf %slice3A, %slice3A_14 : vector<256x1xf32>
    %max3A = arith.constant 1.000000e+00 : f32
    %max3A_16 = vector.broadcast %max3A : f32 to vector<256x1xf32>
    %max3A_17 = arith.maximumf %add3A_15, %max3A_16 : vector<256x1xf32>
    %div3A = vector.broadcast %max3A_17 : vector<256x1xf32> to vector<256x128xf32>
    %div3A_18 = arith.divf %add3A, %div3A : vector<256x128xf32>
    %add3A_19 = vector.broadcast %get3A_13 : vector<1x128xf32> to vector<256x128xf32>
    %add3A_20 = arith.addf %div3A_18, %add3A_19 : vector<256x128xf32>
    %max3A_21 = arith.constant 0.000000e+00 : f32
    %max3A_22 = vector.broadcast %max3A_21 : f32 to vector<256x128xf32>
    %max3A_23 = arith.maximumf %add3A_20, %max3A_22 : vector<256x128xf32>
    %get3A_24 = arith.constant 0 : index
    %get3A_25 = arith.constant 0 : index
    %get3A_26 = vector.load %arg1[%get3A_24, %get3A_25] : memref<256x128xf32, #tpu.memory_space<vmem>>, vector<256x128xf32>
    %concatenate3A = tpu.concatenate %get3A_26, %max3A_23 in 1 : vector<256x128xf32>, vector<256x128xf32> -> vector<256x256xf32>
    %mul3A = arith.mulf %concatenate3A, %concatenate3A : vector<256x256xf32>
    %reduce_sum3A = arith.constant dense<0.000000e+00> : vector<256xf32>
    %reduce_sum3A_27 = vector.multi_reduction <add>, %mul3A, %reduce_sum3A [1] : vector<256x256xf32> to vector<256xf32>
    %broadcast_in_dim3A = vector.shape_cast %reduce_sum3A_27 : vector<256xf32> to vector<256x1xf32>
    %sqrt3A = math.sqrt %broadcast_in_dim3A : vector<256x1xf32>
    %max3A_28 = arith.constant 9.99999996E-13 : f32
    %max3A_29 = vector.broadcast %max3A_28 : f32 to vector<256x1xf32>
    %max3A_30 = arith.maximumf %sqrt3A, %max3A_29 : vector<256x1xf32>
    %div3A_31 = vector.broadcast %max3A_30 : vector<256x1xf32> to vector<256x256xf32>
    %div3A_32 = arith.divf %concatenate3A, %div3A_31 : vector<256x256xf32>
    %get3A_33 = arith.constant 0 : index
    %get3A_34 = arith.constant 0 : index
    %get3A_35 = vector.load %arg7[%get3A_33, %get3A_34] : memref<256x128xf32, #tpu.memory_space<vmem>>, vector<256x128xf32>
    %dot_general3A = arith.constant dense<0.000000e+00> : vector<256x128xf32>
    %dot_general3A_36 = tpu.matmul %div3A_32, %get3A_35, %dot_general3A {dimension_numbers = #tpu.dot_dimension_numbers<[1], [0], [0], [1], [0, 0, 1, 1], [], []>, transpose_lhs_hint = false} : vector<256x256xf32>, vector<256x128xf32>, vector<256x128xf32> -> vector<256x128xf32>
    %get3A_37 = arith.constant 0 : index
    %get3A_38 = arith.constant 0 : index
    %get3A_39 = vector.load %arg8[%get3A_37, %get3A_38] : memref<1x128xf32, #tpu.memory_space<vmem>>, vector<1x128xf32>
    %add3A_40 = vector.broadcast %get3A_39 : vector<1x128xf32> to vector<256x128xf32>
    %add3A_41 = arith.addf %dot_general3A_36, %add3A_40 : vector<256x128xf32>
    %swap3A = arith.constant 0 : index
    %swap3A_42 = arith.constant 0 : index
    %swap3A_43 = vector.load %arg9[%swap3A, %swap3A_42] : memref<256x128xf32, #tpu.memory_space<vmem>>, vector<256x128xf32>
    tpu.vector_store %arg9[%swap3A, %swap3A_42], %add3A_41 {strides = array<i32>} : memref<256x128xf32, #tpu.memory_space<vmem>>, vector<256x128xf32>,
    return
  }
  func.func @transform_0(%arg0: i32) -> (i32, i32) {
    %c0_i32 = arith.constant 0 : i32
    %c0_i32_0 = arith.constant 0 : i32
    return %arg0, %c0_i32 : i32, i32
  }
  func.func @transform_1(%arg0: i32) -> (i32, i32) {
    %c0_i32 = arith.constant 0 : i32
    %c0_i32_0 = arith.constant 0 : i32
    return %arg0, %c0_i32 : i32, i32
  }
  func.func @transform_2(%arg0: i32) -> (i32, i32) {
    %c0_i32 = arith.constant 0 : i32
    %c0_i32_0 = arith.constant 0 : i32
    return %arg0, %c0_i32 : i32, i32
  }
  func.func @transform_3(%arg0: i32) -> (i32, i32) {
    %c0_i32 = arith.constant 0 : i32
    %c0_i32_0 = arith.constant 0 : i32
    return %arg0, %c0_i32 : i32, i32
  }
  func.func @transform_4(%arg0: i32) -> (i32, i32) {
    %c0_i32 = arith.constant 0 : i32
    %c0_i32_0 = arith.constant 0 : i32
    return %arg0, %c0_i32 : i32, i32
  }
  func.func @transform_5(%arg0: i32) -> (i32, i32) {
    %c0_i32 = arith.constant 0 : i32
    %c0_i32_0 = arith.constant 0 : i32
    %c0_i32_1 = arith.constant 0 : i32
    return %c0_i32, %c0_i32_0 : i32, i32
  }
  func.func @transform_6(%arg0: i32) -> (i32, i32) {
    %c0_i32 = arith.constant 0 : i32
    %c0_i32_0 = arith.constant 0 : i32
    %c0_i32_1 = arith.constant 0 : i32
    return %c0_i32, %c0_i32_0 : i32, i32
  }
  func.func @transform_7(%arg0: i32) -> (i32, i32) {
    %c0_i32 = arith.constant 0 : i32
    %c0_i32_0 = arith.constant 0 : i32
    %c0_i32_1 = arith.constant 0 : i32
    return %c0_i32, %c0_i32_0 : i32, i32
  }
  func.func @transform_8(%arg0: i32) -> (i32, i32) {
    %c0_i32 = arith.constant 0 : i32
    %c0_i32_0 = arith.constant 0 : i32
    return %arg0, %c0_i32 : i32, i32
  }
}

</mosaic_0001>

<sc_bundles>
// kernel: kernel.11.cloned.1.call-start
scs
__scs_entry_jumppad:
0x0: {  	(pc) =	sbr.rel $0x88, $3  }
0x1: {  	(tag) =	ssettag $0x0;
	lr =	simm.s32 $0x1  }
0x2: {  	[smem:$0x3F95] =	sst lr;
	_ =	strace $0xD0000000  }
0x3: {  	_ = 	snop  }
0x4: {  	_ = 	snop  }
0x5: {  	_ = 	snop  }
0x6: {  	_ = 	snop  }
0x7: {  	_ = 	snop  }
__scs_overlays_trampoline_lowered:
0x8: {  	[smem:$0x3FA4] =	sst s0  }
0x9: {  	[smem:$0x3FA5] =	sst s1  }
0xa: {  	[smem:$0x3FA6] =	sst s2  }
0xb: {  	[smem:$0x3FA7] =	sst s3  }
0xc: {  	[smem:$0x3FA8] =	sst s4  }
0xd: {  	[smem:$0x3FA9] =	sst s5  }
0xe: {  	[smem:$0x3FAA] =	sst s6  }
0xf: {  	[smem:$0x3FAB] =	sst s7  }
0x10: {  	[smem:$0x3FAC] =	sst s8  }
0x11: {  	[smem:$0x3FAD] =	sst s9;
	s0 =	simm.s32 @!p0 $0x0  }
0x12: {  	s1 =	sld [smem:$0x3F93];
	s0 =	simm.s32 @p0 $0x1  }
0x13: {  	[smem:$0x3FAE] =	sst s0;
	s0 =	simm.s32 @!p1 $0x0  }
0x14: {  	s2 =	sld [smem:$0x3F92];
	s0 =	simm.s32 @p1 $0x1  }
0x15: {  	[smem:$0x3FAF] =	sst s0;
	s0 =	simm.s32 @!p2 $0x0  }
0x16: {  	s3 =	sld [smem:$0x3FDB];
	s0 =	simm.s32 @p2 $0x1  }
0x17: {  	s4 =	simm.s32 $0x1BF5;
	[smem:$0x3FB1] =	sst s0  }
0x18: {  	s0 =	sld [smem:$0x3F94];
	_ =	swait.ge [sflag:s4], $0x0  }
0x19: {  	s7 =	sld [smem:$0x3F95]  }
0x1a: {  	s8 =	sadd.s32 $0xFFFFE003, lr  }
0x1b: {  	s9 =	sadd.s32 $0xFFFFFEF7, lr;
	s5 =	simm.s32 $0xFFFFFFFF;
	p2 =	slt.u32 s8, $0xFFFFF086  }
0x1c: {  	p1 =	slt.u32 s9, $0xF7A;
	s5 =	simm.s32 @!p2 $0x0  }
0x1d: {  	s5 =	simm.s32 @p1 $0x1;
	p0 =	seq.s32 s7, s2  }
0x1e: {  	s7 =	smul.u32 @!p0 $0xF7A, s2;
	p2 =	seq.s32 @!p0 s5, $0x0  }
0x1f: {  	s9 =	smul.u32 $0xF7A, s1;
	s8 =	simm.s32 @!p0 $0x1BF5;
	p2 =	por !p2, p0  }
0x20: {  	[sflag:s8] =	ssyncset.s32 @!p0 $0xFFFFF086;
	s6 =	sadd.s32 @!p0 s3, s7;
	s7 =	simm.s32 @!p0 $0x108  }
0x21: {  	s3 =	sadd.s32 s3, s9;
	s6 =	sadd.s32 @!p0 $0x88, s6;
	s7 =	simm.s32 @p2 $0x1082  }
0x22: {  	[simem:s7], [sflag:s8] =	dma.local @!p0 [hbm:s6], $0xF7A  }
0x23: {  	s9 =	sor.u32 $0xD0000000, s2;
	s6 =	simm.s32 $0x108;
	_ =	swait.ge @!p0 [sflag:s8], $0x0  }
0x24: {  	s3 =	sadd.s32 $0x88, s3;
	s6 =	simm.s32 @!p1 $0x1082;
	[sflag:s4] =	ssyncset.s32 $0xFFFFF086  }
0x25: {  	[simem:s6], [sflag:s4] =	dma.local [hbm:s3], $0xF7A  }
0x26: {  	[smem:$0x3F95] =	sst s1;
	(tag) =	ssettag s2;
	_ =	strace s9  }
0x27: {  	s1 =	sld [smem:$0x3FA5]  }
0x28: {  	s2 =	sld [smem:$0x3FA6]  }
0x29: {  	s4 =	sld [smem:$0x3FA8]  }
0x2a: {  	p0 =	seq.s32 s5, $0x0;
	s5 =	sld [smem:$0x3FA9]  }
0x2b: {  	s6 =	sld [smem:$0x3FAA]  }
0x2c: {  	s7 =	sld [smem:$0x3FAB]  }
0x2d: {  	s3 =	simm.s32 $0x108;
	s8 =	sld [smem:$0x3FAC]  }
0x2e: {  	s3 =	simm.s32 @!p0 $0x1082;
	s9 =	sld [smem:$0x3FAD]  }
0x2f: {  	lr =	sadd.s32 s0, s3;
	s0 =	sld [smem:$0x3FA4]  }
0x30: {  	s3 =	sld [smem:$0x3FA7]  }
0x31: {  	[smem:$0x3FB0] =	sst s10  }
0x32: {  	s10 =	sld [smem:$0x3FAE];
	_ =	sdelay $0x3  }
0x33: {  	p0 =	seq.s32 s10, $0x1;
	s10 =	sld [smem:$0x3FB0];
	_ =	sdelay $0x3  }
0x34: {  	[smem:$0x3FB0] =	sst s10  }
0x35: {  	s10 =	sld [smem:$0x3FAF];
	_ =	sdelay $0x3  }
0x36: {  	p1 =	seq.s32 s10, $0x1;
	s10 =	sld [smem:$0x3FB0];
	_ =	sdelay $0x3  }
0x37: {  	[smem:$0x3FB0] =	sst s10  }
0x38: {  	s10 =	sld [smem:$0x3FB1]  }
0x39: {  	_ = 	snop;
	(pc) =	sbr.ind lr, $3  }
0x3a: {  	_ = 	snop  }
0x3b: {  	_ = 	snop  }
0x3c: {  	p2 =	seq.s32 s10, $0x1;
	s10 =	sld [smem:$0x3FB0]  }
0x3d: {  	_ =	shalt  }
0x3e: {  	_ =	shalt  }
0x3f: {  	_ =	shalt  }
0x40: {  	_ =	shalt  }
0x41: {  	_ =	shalt  }
0x42: {  	_ =	shalt  }
0x43: {  	_ =	shalt  }
0x44: {  	_ =	shalt  }
0x45: {  	_ =	shalt  }
0x46: {  	_ =	shalt  }
0x47: {  	_ =	shalt  }
0x48: {  	_ =	shalt  }
0x49: {  	_ =	shalt  }
0x4a: {  	_ =	shalt  }
0x4b: {  	_ =	shalt  }
0x4c: {  	_ =	shalt  }
0x4d: {  	_ =	shalt  }
0x4e: {  	_ =	shalt  }
0x4f: {  	_ =	shalt  }
0x50: {  	_ =	shalt  }
0x51: {  	_ =	shalt  }
0x52: {  	_ =	shalt  }
0x53: {  	_ =	shalt  }
0x54: {  	_ =	shalt  }
0x55: {  	_ =	shalt  }
0x56: {  	_ =	shalt  }
0x57: {  	_ =	shalt  }
0x58: {  	_ =	shalt  }
0x59: {  	_ =	shalt  }
0x5a: {  	_ =	shalt  }
0x5b: {  	_ =	shalt  }
0x5c: {  	_ =	shalt  }
0x5d: {  	_ =	shalt  }
0x5e: {  	_ =	shalt  }
0x5f: {  	_ =	shalt  }
0x60: {  	_ =	shalt  }
0x61: {  	_ =	shalt  }
0x62: {  	_ =	shalt  }
0x63: {  	_ =	shalt  }
0x64: {  	_ =	shalt  }
0x65: {  	_ =	shalt  }
0x66: {  	_ =	shalt  }
0x67: {  	_ =	shalt  }
0x68: {  	_ =	shalt  }
0x69: {  	_ =	shalt  }
0x6a: {  	_ =	shalt  }
0x6b: {  	_ =	shalt  }
0x6c: {  	_ =	shalt  }
0x6d: {  	_ =	shalt  }
0x6e: {  	_ =	shalt  }
0x6f: {  	_ =	shalt  }
0x70: {  	_ =	shalt  }
0x71: {  	_ =	shalt  }
0x72: {  	_ =	shalt  }
0x73: {  	_ =	shalt  }
0x74: {  	_ =	shalt  }
0x75: {  	_ =	shalt  }
0x76: {  	_ =	shalt  }
0x77: {  	_ =	shalt  }
0x78: {  	_ =	shalt  }
0x79: {  	_ =	shalt  }
0x7a: {  	_ =	shalt  }
0x7b: {  	_ =	shalt  }
0x7c: {  	_ =	shalt  }
0x7d: {  	_ =	shalt  }
0x7e: {  	_ =	shalt  }
0x7f: {  	_ =	shalt  }
0x80: {  	_ =	shalt  }
0x81: {  	_ =	shalt  }
0x82: {  	_ =	shalt  }
0x83: {  	_ =	shalt  }
0x84: {  	_ =	shalt  }
0x85: {  	_ =	shalt  }
0x86: {  	_ =	shalt  }
0x87: {  	_ =	shalt  }
.Lfunc_end0:
.L_simem_size_0:
called_computation.1_lowered:
.L_overlay_start_0:
0x88: {  	s2 =	sld [smem:$0x3FD9]  }
0x89: {  	s3 =	sld [smem:$0x3FFE];
	_ =	sdelay $0x1  }
0x8a: {  	s1 =	srdreg.scid  }
0x8b: {  	s0 =	sand.u32 $0x1, s1  }
0x8c: {  	s17 =	sshll.u32 s0, $0xA;
	s2 =	sadd.s32 s3, s2  }
0x8d: {  	s2 =	sadd.s32 s2, s17  }
0x8e: {  	[smem:$0x3FBC] =	sst s2  }
0x8f: {  	_ = 	snop  }
0x90: {  	s18 =	sld [smem:$0x3FD0];
	(tm) =	ssettm $0x1  }
0x91: {  	s19 =	sld [smem:$0x3FFB];
	_ =	sdelay $0x3  }
0x92: {  	_ =	strace s19  }
0x93: {  	s2 =	sld [smem:$0x3FFC];
	_ =	sdelay $0x3  }
0x94: {  	_ =	strace s2  }
0x95: {  	s2 =	sld [smem:$0x3FFD];
	_ =	sdelay $0x3  }
0x96: {  	_ =	strace s2  }
0x97: {  	_ =	strace $0x8FFFFFFF  }
0x98: {  	s20 =	sld [smem:$0x3FDB];
	_ =	sdelay $0x1  }
0x99: {  	s4 =	simm.s32 $_scs_section_size  }
0x9a: {  	s5 =	simm.s32 $_size__tile_overlayer_lowered;
	s6 =	simm.s32 $_tile_overlayer_lowered  }
0x9b: {  	s7 =	simm.s32 $0x1BFF;
	s21 =	sshll.u32 s6, $0x1;
	s4 =	sadd.s32 s4, s20  }
0x9c: {  	s22 =	simm.s32 $0x0;
	s5 =	sshll.u32 s5, $0x1;
	s6 =	sadd.s32 s21, s4  }
0x9d: {  	[timem:s22], [sflag:s7] =	dma.local [hbm:s6], s5  }
0x9e: {  	_ =	swait.ge [sflag:s7], s5  }
0x9f: {  	s5 =	ssub.s32 $0x0, s5;
	[sflag:s7] =	ssyncset.done $0x0  }
0xa0: {  	[sflag:s7] =	ssyncadd.s32 s5;
	_ =	sdelay $0x1  }
0xa1: {  	s23 =	simm.s32 $0x1B8B  }
0xa2: {  	_ =	swait.ge [sflag:s23], $0x1  }
0xa3: {  	[sflag:s23] =	ssyncset.done $0x0  }
0xa4: {  	[sflag:s23] =	ssyncadd.s32 $0xFFFFFFFF  }
0xa5: {  	s5 =	sld [smem:$0x0]  }
0xa6: {  	s6 =	sand.u32 $0xFFFFFFFE, s1  }
0xa7: {  	p0 =	sne.s32 s1, s6  }
0xa8: {  	s6 =	sshll.u32 @p0 s6, $0xE  }
0xa9: {  	s6 =	sadd.s32 @p0 $0x11B8D, s6;
	s7 =	sshll.u32 @p0 s5, $0x11  }
0xaa: {  	s6 =	sor.u32 @p0 s7, s6  }
0xab: {  	[sflag:s6] =	ssyncadd.remote.s32 @p0 $0x1;
	_ =	sdelay $0x1  }
0xac: {  	s6 =	simm.s32 @p0 $0x1B8D  }
0xad: {  	_ =	swait.eq @p0 [sflag:s6], $0x1  }
0xae: {  	[sflag:s6] =	ssyncadd.s32 @p0 $0xFFFFFFFF  }
0xaf: {  	s7 =	sshll.u32 @!p0 s1, $0xE  }
0xb0: {  	s7 =	sor.u32 @!p0 $0x4000, s7;
	s6 =	simm.s32 @!p0 $0x1B8D  }
0xb1: {  	s5 =	sshll.u32 @!p0 s5, $0x11;
	s7 =	sadd.s32 @!p0 $0x11B8D, s7;
	_ =	swait.eq @!p0 [sflag:s6], $0x1  }
0xb2: {  	s5 =	sor.u32 @!p0 s5, s7;
	[sflag:s6] =	ssyncadd.s32 @!p0 $0xFFFFFFFF  }
0xb3: {  	s25 =	simm.s32 $0x1B8E;
	s24 =	sld [smem:$0x3FFE];
	[sflag:s5] =	ssyncadd.remote.s32 @!p0 $0x1  }
0xb4: {  	s26 =	simm.s32 $execute0_lowered;
	[smem:$0x3FD2] =	sst s25  }
0xb5: {  	s6 =	sshll.u32 s26, $0x1;
	_ =	strace $0x80000049;
	[dreg:$0x1] =	wrdreg $0xFFFFFFFF  }
0xb6: {  	s28 =	simm.s32 $_size_execute0_lowered;
	s4 =	sadd.s32 s4, s6;
	[dreg:$0x0] =	wrdreg $0x0  }
0xb7: {  	s6 =	sshll.u32 s28, $0x1;
	[dreg:$0x2] =	wrdreg s4  }
0xb8: {  	[dreg:$0x3] =	wrdreg s6  }
0xb9: {  	[dreg:$0x4] =	wrdreg $0xC0  }
0xba: {  	_ =	task [dreg:s22], $0x5FFFF  }
0xbb: {  	[dreg:$0x1] =	wrdreg $0xFFFFFFFF  }
0xbc: {  	[dreg:$0x0] =	wrdreg $0x60  }
0xbd: {  	[dreg:$0x2] =	wrdreg s24  }
0xbe: {  	[dreg:$0x3] =	wrdreg s18  }
0xbf: {  	[dreg:$0x4] =	wrdreg $0x0  }
0xc0: {  	[dreg:$0x5] =	wrdreg $0xA  }
0xc1: {  	_ =	task.clear_ibuf [dreg:s22], $0x6FFFF;
	_ =	strace $0x90000049  }
0xc2: {  	s29 =	simm.s32 $0xA;
	_ =	strace $0x8000004B  }
0xc3: {  	_ =	swait.ge [sflag:s29], $0x1  }
0xc4: {  	[sflag:s29] =	ssyncadd.s32 $0xFFFFFFFF  }
0xc5: {  	_ =	strace $0x9000004B  }
0xc6: {  	_ =	sfence  }
0xc7: {  	s30 =	sld [smem:$0x0];
	_ =	sdelay $0x2  }
0xc8: {  	s31 =	sshll.u32 s1, $0xD;
	s1 =	sshrl.u32 s1, $0x2  }
0xc9: {  	s4 =	sand.u32 $0x4000, s31;
	s1 =	sadd.s32 s1, s30  }
0xca: {  	s0 =	sor.u32 s4, s0;
	s1 =	sshll.u32 s1, $0x11  }
0xcb: {  	s0 =	sor.u32 s1, s0  }
0xcc: {  	s0 =	sadd.s32 $0x8F2B, s0  }
0xcd: {  	[sflag:s0] =	ssyncadd.remote.s32 $0x1  }
0xce: {  	_ =	sfence.sel $0xFFFF  }
0xcf: {  	[dreg:$0x0] =	wrdreg $0xFFFFFFFF;
	(pc) =	sbr.abs _section_cstart, $3  }
0xd0: {  	[dreg:$0x1] =	wrdreg $0xFFFFFFFF  }
0xd1: {  	_ =	task.clear_ibuf [dreg:s22], $0x2FFFF;
	_ =	strace $0x9FFFFFFF  }
0xd2: {  	(tm) =	ssettm $0x7FFFFFFF  }
0xd3: {  	_ =	shalt  }
tec
execute0_lowered:
.L_overlay_start_1:
0x0: {  	(tag) =	ssettag $0x1  }
0x1: {  	s0 =	rddreg [dreg:$0x0]  }
0x2: {  	s1 =	rddreg [dreg:$0x1]  }
0x3: {  	s2 =	rddreg [dreg:$0x2]  }
0x4: {  	s4 =	srdreg.scid;
	s5 =	stileid.u32  }
0x5: {  	s3 =	simm.s32 $0x0;
	s16 =	simm.s32 $0x14100;
	s17 =	simm.s32 $0x14080  }
0x6: {  	s18 =	simm.s32 $0x14180;
	s20 =	simm.s32 $0x7;
	s28 =	simm.s32 $0x18200  }
0x7: {  	s29 =	simm.s32 $0x5;
	s30 =	simm.s32 $0x6;
	s31 =	simm.s32 $0x0  }
0x8: {  	s6 =	sand.u32 $0x1, s4;
	s7 =	smul.u32 $0x2800, s5;
	[smem:$0x7FF] =	sst s3  }
0x9: {  	s4 =	sadd.s32 $0x60400, s0;
	s13 =	sadd.s32 $0x5B000, s0;
	s9 =	sadd.s32 $0x8000, s0  }
0xa: {  	s14 =	sshll.u32 s5, $0x5;
	s10 =	smul.u32 $0x50000, s5;
	s11 =	sshll.u32 s5, $0x6  }
0xb: {  	s8 =	smul.u32 $0x28000, s6;
	_ =	strace $0x8000004A;
	[dreg:$0x4] =	wrdreg s9  }
0xc: {  	s21 =	ssub.s32 $0x2, s6;
	s15 =	sshll.u32 s6, $0x4;
	s26 =	sadd.s32 s14, s13  }
0xd: {  	s22 =	sshrl.u32 s21, $0x1;
	s23 =	sor.u32 s15, s14;
	s10 =	sshrl.u32 s10, $0x2  }
0xe: {  	s7 =	sadd.s32 s7, s8;
	s12 =	ssub.s32 s21, s22;
	s24 =	sor.u32 $0x200, s23  }
0xf: {  	s25 =	sadd.s32 s1, s23;
	s19 =	sadd.s32 s10, s2;
	s10 =	sor.u32 $0x1C07, s11  }
0x10: {  	s21 =	simm.s32 $0x1;
	s22 =	simm.s32 $0x3;
	s0 =	sadd.s32 s7, s0  }
0x11: {  	[dreg:$0x5] =	wrdreg s25;
	s7 =	sadd.s32 s13, s23;
	s8 =	sadd.s32 s1, s24  }
0x12: {  	s9 =	sadd.s32 s13, s24;
	s12 =	smax.u32 s12, $0x1;
	s1 =	sadd.s32 s14, s1  }
0x13: {  	s13 =	sadd.s32 s15, s26;
	s19 =	sshrl.u32 s19, $0x3;
	s23 =	simm.s32 $0x80  }
0x14: {  	s24 =	simm.s32 $0x14200;
	s25 =	simm.s32 $0x2;
	s26 =	simm.s32 $0x4  }
0x15: {  	s11 =	sadd.s32 $0x88400, s0;
	s14 =	sadd.s32 s15, s1;
	s15 =	simm.s32 $0x14000  }
.LBB2_1:
0x16: {  	s0 =	rddreg [dreg:$0x5]  }
0x17: {  	[tilespmem:s15], [sflag:$0x1] =	stream.linear.gather [hbm4b:s0+s3], $0x80, $0x38;
	[tilespmem:$0x1C200] =	vst v63  }
0x18: {  	_ = 	snop  }
0x19: {  	[tilespmem:s16], [sflag:$0x3] =	stream.linear.gather [hbm4b:s7+s3], $0x80, $0x38;
	[tilespmem:$0x1C200] =	vst v63  }
0x1a: {  	_ = 	snop  }
0x1b: {  	[tilespmem:s17], [sflag:$0x2] =	stream.linear.gather [hbm4b:s8+s3], $0x80, $0x38;
	[tilespmem:$0x1C200] =	vst v63  }
0x1c: {  	s5 =	rddreg [dreg:$0x4]  }
0x1d: {  	[tilespmem:s18], [sflag:$0x4] =	stream.linear.gather [hbm4b:s9+s3], $0x80, $0x38;
	[tilespmem:$0x1C200] =	vst v63  }
0x1e: {  	[spmem:s19], [sflag:s10] =	dma.local [hbm:s5], $0x2800  }
0x1f: {  	_ =	swait.ge [sflag:s20], $0x2800  }
0x20: {  	[sflag:s20] =	ssyncset.done $0x0  }
0x21: {  	[sflag:s20] =	ssyncadd.s32 $0xFFFFD800  }
0x22: {  	[bflag:$0x0] =	sbarrier.arrive $0xFFFF  }
0x23: {  	_ =	swait.ge [sflag:s21], $0x80  }
0x24: {  	[sflag:s21] =	ssyncset.done $0x0  }
0x25: {  	[sflag:s21] =	ssyncadd.s32 $0xFFFFFF80  }
0x26: {  	_ =	swait.ge [sflag:s22], $0x80  }
0x27: {  	[sflag:s22] =	ssyncset.done $0x0  }
0x28: {  	[sflag:s22] =	ssyncadd.s32 $0xFFFFFF80  }
0x29: {  	[tilespmem:s24], [sflag:$0x5] =	stream.indirect.gather [hbm4b:s4+s23], $0x80, s15, s23, $0xb8;
	[tilespmem:$0x1C200] =	vst v63  }
0x2a: {  	_ =	swait.ge [sflag:s25], $0x80  }
0x2b: {  	[sflag:s25] =	ssyncset.done $0x0  }
0x2c: {  	[sflag:s25] =	ssyncadd.s32 $0xFFFFFF80  }
0x2d: {  	_ =	swait.ge [sflag:s26], $0x80  }
0x2e: {  	[sflag:s26] =	ssyncset.done $0x0  }
0x2f: {  	[sflag:s26] =	ssyncadd.s32 $0xFFFFFF80  }
0x30: {  	[tilespmem:s28], [sflag:$0x6] =	stream.indirect.gather [hbm4b:s4+s23], $0x80, s17, s23, $0xb8;
	[tilespmem:$0x1C200] =	vst v63  }
0x31: {  	_ =	swait.ge [sflag:s29], $0x4000  }
0x32: {  	[sflag:s29] =	ssyncset.done $0x0  }
0x33: {  	[sflag:s29] =	ssyncadd.s32 $0xFFFFC000  }
0x34: {  	[spmem:s2] =	stream.indirect.scatter.add.f32 [tilespmem:s24], [sflag:$0x7], $0x80, s16, s23, $0xb8;
	[tilespmem:$0x1C200] =	vst v63  }
0x35: {  	_ =	swait.ge [sflag:s20], $0x4000  }
0x36: {  	s0 =	sadd.s32 $0x0, s14;
	[sflag:s20] =	ssyncset.done $0x0  }
0x37: {  	s1 =	sadd.s32 $0x400, s0;
	s5 =	sadd.s32 $0x0, s13;
	[sflag:s20] =	ssyncadd.s32 $0xFFFFC000  }
0x38: {  	[tilespmem:s15], [sflag:$0x1] =	stream.linear.gather [hbm4b:s1+s3], $0x80, $0x38;
	[tilespmem:$0x1C200] =	vst v63  }
0x39: {  	s6 =	sadd.s32 $0x400, s5  }
0x3a: {  	[tilespmem:s16], [sflag:$0x3] =	stream.linear.gather [hbm4b:s6+s3], $0x80, $0x38;
	[tilespmem:$0x1C200] =	vst v63  }
0x3b: {  	_ =	swait.ge [sflag:s30], $0x4000  }
0x3c: {  	[sflag:s30] =	ssyncset.done $0x0  }
0x3d: {  	[sflag:s30] =	ssyncadd.s32 $0xFFFFC000  }
0x3e: {  	[spmem:s2] =	stream.indirect.scatter.add.f32 [tilespmem:s28], [sflag:$0x7], $0x80, s18, s23, $0xb8;
	[tilespmem:$0x1C200] =	vst v63  }
0x3f: {  	_ =	swait.ge [sflag:s20], $0x4000  }
0x40: {  	[sflag:s20] =	ssyncset.done $0x0  }
0x41: {  	s0 =	sadd.s32 $0x600, s0;
	[sflag:s20] =	ssyncadd.s32 $0xFFFFC000  }
0x42: {  	[tilespmem:s17], [sflag:$0x2] =	stream.linear.gather [hbm4b:s0+s3], $0x80, $0x38;
	[tilespmem:$0x1C200] =	vst v63  }
0x43: {  	s1 =	sadd.s32 $0x600, s5;
	s0 =	simm.s32 $0x400  }
.LBB2_2:
0x44: {  	[tilespmem:s18], [sflag:$0x4] =	stream.linear.gather [hbm4b:s1+s3], $0x80, $0x38;
	[tilespmem:$0x1C200] =	vst v63  }
0x45: {  	s1 =	smov.u32 s0  }
0x46: {  	p0 =	sne.s32 s0, $0x4C00;
	s0 =	sadd.s32 $0x400, s0;
	_ =	swait.ge [sflag:s21], $0x80  }
0x47: {  	[sflag:s21] =	ssyncset.done $0x0  }
0x48: {  	[sflag:s21] =	ssyncadd.s32 $0xFFFFFF80  }
0x49: {  	_ =	swait.ge [sflag:s22], $0x80  }
0x4a: {  	[sflag:s22] =	ssyncset.done $0x0  }
0x4b: {  	[sflag:s22] =	ssyncadd.s32 $0xFFFFFF80  }
0x4c: {  	[tilespmem:s24], [sflag:$0x5] =	stream.indirect.gather [hbm4b:s4+s23], $0x80, s15, s23, $0xb8;
	[tilespmem:$0x1C200] =	vst v63  }
0x4d: {  	_ =	swait.ge [sflag:s25], $0x80  }
0x4e: {  	[sflag:s25] =	ssyncset.done $0x0  }
0x4f: {  	[sflag:s25] =	ssyncadd.s32 $0xFFFFFF80  }
0x50: {  	_ =	swait.ge [sflag:s26], $0x80  }
0x51: {  	[sflag:s26] =	ssyncset.done $0x0  }
0x52: {  	[sflag:s26] =	ssyncadd.s32 $0xFFFFFF80  }
0x53: {  	[tilespmem:s28], [sflag:$0x6] =	stream.indirect.gather [hbm4b:s4+s23], $0x80, s17, s23, $0xb8;
	[tilespmem:$0x1C200] =	vst v63  }
0x54: {  	_ =	swait.ge [sflag:s29], $0x4000  }
0x55: {  	[sflag:s29] =	ssyncset.done $0x0  }
0x56: {  	[sflag:s29] =	ssyncadd.s32 $0xFFFFC000  }
0x57: {  	[spmem:s2] =	stream.indirect.scatter.add.f32 [tilespmem:s24], [sflag:$0x7], $0x80, s16, s23, $0xb8;
	[tilespmem:$0x1C200] =	vst v63  }
0x58: {  	_ =	swait.ge [sflag:s20], $0x4000  }
0x59: {  	s5 =	sadd.s32 s1, s14;
	[sflag:s20] =	ssyncset.done $0x0  }
0x5a: {  	s1 =	sadd.s32 s1, s13;
	s6 =	sadd.s32 $0x400, s5;
	[sflag:s20] =	ssyncadd.s32 $0xFFFFC000  }
0x5b: {  	[tilespmem:s15], [sflag:$0x1] =	stream.linear.gather [hbm4b:s6+s3], $0x80, $0x38;
	[tilespmem:$0x1C200] =	vst v63  }
0x5c: {  	s6 =	sadd.s32 $0x400, s1  }
0x5d: {  	[tilespmem:s16], [sflag:$0x3] =	stream.linear.gather [hbm4b:s6+s3], $0x80, $0x38;
	[tilespmem:$0x1C200] =	vst v63  }
0x5e: {  	_ =	swait.ge [sflag:s30], $0x4000  }
0x5f: {  	[sflag:s30] =	ssyncset.done $0x0  }
0x60: {  	[sflag:s30] =	ssyncadd.s32 $0xFFFFC000  }
0x61: {  	[spmem:s2] =	stream.indirect.scatter.add.f32 [tilespmem:s28], [sflag:$0x7], $0x80, s18, s23, $0xb8;
	[tilespmem:$0x1C200] =	vst v63  }
.Ltmp0:
0x62: {  	_ =	swait.ge [sflag:s20], $0x4000;
	(pc) =	sbr.rel @p0 .LBB2_2-.Ltmp0, $4  }
0x63: {  	[sflag:s20] =	ssyncset.done $0x0  }
0x64: {  	s5 =	sadd.s32 $0x600, s5;
	[sflag:s20] =	ssyncadd.s32 $0xFFFFC000  }
0x65: {  	[tilespmem:s17], [sflag:$0x2] =	stream.linear.gather [hbm4b:s5+s3], $0x80, $0x38;
	[tilespmem:$0x1C200] =	vst v63  }
0x66: {  	s1 =	sadd.s32 $0x600, s1  }
0x67: {  	[tilespmem:s18], [sflag:$0x4] =	stream.linear.gather [hbm4b:s1+s3], $0x80, $0x38;
	[tilespmem:$0x1C200] =	vst v63  }
0x68: {  	_ =	swait.ge [sflag:s21], $0x80  }
0x69: {  	[sflag:s21] =	ssyncset.done $0x0  }
0x6a: {  	[sflag:s21] =	ssyncadd.s32 $0xFFFFFF80  }
0x6b: {  	_ =	swait.ge [sflag:s22], $0x80  }
0x6c: {  	[sflag:s22] =	ssyncset.done $0x0  }
0x6d: {  	[sflag:s22] =	ssyncadd.s32 $0xFFFFFF80  }
0x6e: {  	_ =	swait.ge [sflag:s25], $0x80  }
0x6f: {  	[sflag:s25] =	ssyncset.done $0x0  }
0x70: {  	[sflag:s25] =	ssyncadd.s32 $0xFFFFFF80  }
0x71: {  	_ =	swait.ge [sflag:s26], $0x80  }
0x72: {  	s31 =	sadd.s32 $0x1, s31;
	[sflag:s26] =	ssyncset.done $0x0  }
0x73: {  	p0 =	sne.s32 s31, s12;
	[sflag:s26] =	ssyncadd.s32 $0xFFFFFF80  }
.Ltmp1:
0x74: {  	[bflag:$0x0] =	sbarrier.arrive $0xFFFF;
	(pc) =	sbr.rel @p0 .LBB2_1-.Ltmp1, $4  }
0x75: {  	[hbm:s11], [sflag:s10] =	dma.local [spmem:s19], $0x2800  }
0x76: {  	_ =	swait.ge [sflag:s20], $0x2800  }
0x77: {  	[sflag:s20] =	ssyncset.done $0x0  }
0x78: {  	[sflag:s20] =	ssyncadd.s32 $0xFFFFD800  }
0x79: {  	_ =	sfence.sel $0x180000  }
0x7a: {  	[bflag:$0x0] =	sbarrier.arrive $0xFFFF  }
0x7b: {  	_ =	strace $0x9000004A  }
0x7c: {  	s0 =	stileid.u32;
	[bflag:$0x2] =	sbarrier.arrive $0xFFFF  }
0x7d: {  	p0 =	sne.s32 s0, $0x0;
	s0 =	rddreg [dreg:$0x3]  }
0x7e: {  	s0 =	sadd.s32 @!p0 $0x100000, s0  }
0x7f: {  	[sflag:s0] =	ssyncadd.tile.s32 @!p0 $0x1;
	_ =	shalt  }
.Lfunc_end2:
_tile_overlayer_lowered:
.L_overlay_start_2:
0x80: {  	(tag) =	ssettag $0x2  }
0x81: {  	s0 =	rddreg [dreg:$0x0];
	s2 =	stileid.u32  }
0x82: {  	s1 =	rddreg [dreg:$0x1];
	p0 =	sne.s32 s2, $0x0  }
0x83: {  	s3 =	rddreg [dreg:$0x2];
	[bflag:$0x3] =	sbarrier.arrive $0xFFFF;
	s2 =	simm.s32 @!p0 $0x1C07  }
0x84: {  	[timem:s3], [sflag:s2] =	dma.local @!p0 [hbm:s0], s1  }
0x85: {  	s0 =	simm.s32 @!p0 $0x7  }
0x86: {  	_ =	swait.ge @!p0 [sflag:s0], s1  }
0x87: {  	s1 =	ssub.s32 @!p0 $0x0, s1;
	[sflag:s0] =	ssyncset.done @!p0 $0x0  }
0x88: {  	[sflag:s0] =	ssyncadd.s32 @!p0 s1  }
0x89: {  	[bflag:$0x3] =	sbarrier.arrive $0xFFFF  }
0x8a: {  	_ =	shalt  }

// kernel: kernel.14.cloned.1.call-start
scs
__scs_entry_jumppad:
0x0: {  	(pc) =	sbr.rel $0x88, $3  }
0x1: {  	(tag) =	ssettag $0x0;
	lr =	simm.s32 $0x1  }
0x2: {  	[smem:$0x3F95] =	sst lr;
	_ =	strace $0xD0000000  }
0x3: {  	_ = 	snop  }
0x4: {  	_ = 	snop  }
0x5: {  	_ = 	snop  }
0x6: {  	_ = 	snop  }
0x7: {  	_ = 	snop  }
__scs_overlays_trampoline_lowered:
0x8: {  	[smem:$0x3FA4] =	sst s0  }
0x9: {  	[smem:$0x3FA5] =	sst s1  }
0xa: {  	[smem:$0x3FA6] =	sst s2  }
0xb: {  	[smem:$0x3FA7] =	sst s3  }
0xc: {  	[smem:$0x3FA8] =	sst s4  }
0xd: {  	[smem:$0x3FA9] =	sst s5  }
0xe: {  	[smem:$0x3FAA] =	sst s6  }
0xf: {  	[smem:$0x3FAB] =	sst s7  }
0x10: {  	[smem:$0x3FAC] =	sst s8  }
0x11: {  	[smem:$0x3FAD] =	sst s9;
	s0 =	simm.s32 @!p0 $0x0  }
0x12: {  	s1 =	sld [smem:$0x3F93];
	s0 =	simm.s32 @p0 $0x1  }
0x13: {  	[smem:$0x3FAE] =	sst s0;
	s0 =	simm.s32 @!p1 $0x0  }
0x14: {  	s2 =	sld [smem:$0x3F92];
	s0 =	simm.s32 @p1 $0x1  }
0x15: {  	[smem:$0x3FAF] =	sst s0;
	s0 =	simm.s32 @!p2 $0x0  }
0x16: {  	s3 =	sld [smem:$0x3FDB];
	s0 =	simm.s32 @p2 $0x1  }
0x17: {  	s4 =	simm.s32 $0x1BF5;
	[smem:$0x3FB1] =	sst s0  }
0x18: {  	s0 =	sld [smem:$0x3F94];
	_ =	swait.ge [sflag:s4], $0x0  }
0x19: {  	s7 =	sld [smem:$0x3F95]  }
0x1a: {  	s8 =	sadd.s32 $0xFFFFE003, lr  }
0x1b: {  	s9 =	sadd.s32 $0xFFFFFEF7, lr;
	s5 =	simm.s32 $0xFFFFFFFF;
	p2 =	slt.u32 s8, $0xFFFFF086  }
0x1c: {  	p1 =	slt.u32 s9, $0xF7A;
	s5 =	simm.s32 @!p2 $0x0  }
0x1d: {  	s5 =	simm.s32 @p1 $0x1;
	p0 =	seq.s32 s7, s2  }
0x1e: {  	s7 =	smul.u32 @!p0 $0xF7A, s2;
	p2 =	seq.s32 @!p0 s5, $0x0  }
0x1f: {  	s9 =	smul.u32 $0xF7A, s1;
	s8 =	simm.s32 @!p0 $0x1BF5;
	p2 =	por !p2, p0  }
0x20: {  	[sflag:s8] =	ssyncset.s32 @!p0 $0xFFFFF086;
	s6 =	sadd.s32 @!p0 s3, s7;
	s7 =	simm.s32 @!p0 $0x108  }
0x21: {  	s3 =	sadd.s32 s3, s9;
	s6 =	sadd.s32 @!p0 $0x88, s6;
	s7 =	simm.s32 @p2 $0x1082  }
0x22: {  	[simem:s7], [sflag:s8] =	dma.local @!p0 [hbm:s6], $0xF7A  }
0x23: {  	s9 =	sor.u32 $0xD0000000, s2;
	s6 =	simm.s32 $0x108;
	_ =	swait.ge @!p0 [sflag:s8], $0x0  }
0x24: {  	s3 =	sadd.s32 $0x88, s3;
	s6 =	simm.s32 @!p1 $0x1082;
	[sflag:s4] =	ssyncset.s32 $0xFFFFF086  }
0x25: {  	[simem:s6], [sflag:s4] =	dma.local [hbm:s3], $0xF7A  }
0x26: {  	[smem:$0x3F95] =	sst s1;
	(tag) =	ssettag s2;
	_ =	strace s9  }
0x27: {  	s1 =	sld [smem:$0x3FA5]  }
0x28: {  	s2 =	sld [smem:$0x3FA6]  }
0x29: {  	s4 =	sld [smem:$0x3FA8]  }
0x2a: {  	p0 =	seq.s32 s5, $0x0;
	s5 =	sld [smem:$0x3FA9]  }
0x2b: {  	s6 =	sld [smem:$0x3FAA]  }
0x2c: {  	s7 =	sld [smem:$0x3FAB]  }
0x2d: {  	s3 =	simm.s32 $0x108;
	s8 =	sld [smem:$0x3FAC]  }
0x2e: {  	s3 =	simm.s32 @!p0 $0x1082;
	s9 =	sld [smem:$0x3FAD]  }
0x2f: {  	lr =	sadd.s32 s0, s3;
	s0 =	sld [smem:$0x3FA4]  }
0x30: {  	s3 =	sld [smem:$0x3FA7]  }
0x31: {  	[smem:$0x3FB0] =	sst s10  }
0x32: {  	s10 =	sld [smem:$0x3FAE];
	_ =	sdelay $0x3  }
0x33: {  	p0 =	seq.s32 s10, $0x1;
	s10 =	sld [smem:$0x3FB0];
	_ =	sdelay $0x3  }
0x34: {  	[smem:$0x3FB0] =	sst s10  }
0x35: {  	s10 =	sld [smem:$0x3FAF];
	_ =	sdelay $0x3  }
0x36: {  	p1 =	seq.s32 s10, $0x1;
	s10 =	sld [smem:$0x3FB0];
	_ =	sdelay $0x3  }
0x37: {  	[smem:$0x3FB0] =	sst s10  }
0x38: {  	s10 =	sld [smem:$0x3FB1]  }
0x39: {  	_ = 	snop;
	(pc) =	sbr.ind lr, $3  }
0x3a: {  	_ = 	snop  }
0x3b: {  	_ = 	snop  }
0x3c: {  	p2 =	seq.s32 s10, $0x1;
	s10 =	sld [smem:$0x3FB0]  }
0x3d: {  	_ =	shalt  }
0x3e: {  	_ =	shalt  }
0x3f: {  	_ =	shalt  }
0x40: {  	_ =	shalt  }
0x41: {  	_ =	shalt  }
0x42: {  	_ =	shalt  }
0x43: {  	_ =	shalt  }
0x44: {  	_ =	shalt  }
0x45: {  	_ =	shalt  }
0x46: {  	_ =	shalt  }
0x47: {  	_ =	shalt  }
0x48: {  	_ =	shalt  }
0x49: {  	_ =	shalt  }
0x4a: {  	_ =	shalt  }
0x4b: {  	_ =	shalt  }
0x4c: {  	_ =	shalt  }
0x4d: {  	_ =	shalt  }
0x4e: {  	_ =	shalt  }
0x4f: {  	_ =	shalt  }
0x50: {  	_ =	shalt  }
0x51: {  	_ =	shalt  }
0x52: {  	_ =	shalt  }
0x53: {  	_ =	shalt  }
0x54: {  	_ =	shalt  }
0x55: {  	_ =	shalt  }
0x56: {  	_ =	shalt  }
0x57: {  	_ =	shalt  }
0x58: {  	_ =	shalt  }
0x59: {  	_ =	shalt  }
0x5a: {  	_ =	shalt  }
0x5b: {  	_ =	shalt  }
0x5c: {  	_ =	shalt  }
0x5d: {  	_ =	shalt  }
0x5e: {  	_ =	shalt  }
0x5f: {  	_ =	shalt  }
0x60: {  	_ =	shalt  }
0x61: {  	_ =	shalt  }
0x62: {  	_ =	shalt  }
0x63: {  	_ =	shalt  }
0x64: {  	_ =	shalt  }
0x65: {  	_ =	shalt  }
0x66: {  	_ =	shalt  }
0x67: {  	_ =	shalt  }
0x68: {  	_ =	shalt  }
0x69: {  	_ =	shalt  }
0x6a: {  	_ =	shalt  }
0x6b: {  	_ =	shalt  }
0x6c: {  	_ =	shalt  }
0x6d: {  	_ =	shalt  }
0x6e: {  	_ =	shalt  }
0x6f: {  	_ =	shalt  }
0x70: {  	_ =	shalt  }
0x71: {  	_ =	shalt  }
0x72: {  	_ =	shalt  }
0x73: {  	_ =	shalt  }
0x74: {  	_ =	shalt  }
0x75: {  	_ =	shalt  }
0x76: {  	_ =	shalt  }
0x77: {  	_ =	shalt  }
0x78: {  	_ =	shalt  }
0x79: {  	_ =	shalt  }
0x7a: {  	_ =	shalt  }
0x7b: {  	_ =	shalt  }
0x7c: {  	_ =	shalt  }
0x7d: {  	_ =	shalt  }
0x7e: {  	_ =	shalt  }
0x7f: {  	_ =	shalt  }
0x80: {  	_ =	shalt  }
0x81: {  	_ =	shalt  }
0x82: {  	_ =	shalt  }
0x83: {  	_ =	shalt  }
0x84: {  	_ =	shalt  }
0x85: {  	_ =	shalt  }
0x86: {  	_ =	shalt  }
0x87: {  	_ =	shalt  }
.Lfunc_end0:
.L_simem_size_0:
called_computation.2_lowered:
.L_overlay_start_0:
0x88: {  	s2 =	sld [smem:$0x3FD9]  }
0x89: {  	s3 =	sld [smem:$0x3FFE];
	_ =	sdelay $0x1  }
0x8a: {  	s1 =	srdreg.scid  }
0x8b: {  	s0 =	sand.u32 $0x1, s1  }
0x8c: {  	s17 =	sshll.u32 s0, $0xA;
	s2 =	sadd.s32 s3, s2  }
0x8d: {  	s2 =	sadd.s32 s2, s17  }
0x8e: {  	[smem:$0x3FBC] =	sst s2  }
0x8f: {  	_ = 	snop  }
0x90: {  	s2 =	sld [smem:$0x3FD0];
	(tm) =	ssettm $0x1  }
0x91: {  	s18 =	sld [smem:$0x3FFB];
	_ =	sdelay $0x3  }
0x92: {  	_ =	strace s18  }
0x93: {  	s3 =	sld [smem:$0x3FFC];
	_ =	sdelay $0x3  }
0x94: {  	_ =	strace s3  }
0x95: {  	s3 =	sld [smem:$0x3FFD];
	_ =	sdelay $0x3  }
0x96: {  	_ =	strace s3  }
0x97: {  	_ =	strace $0x8FFFFFFF  }
0x98: {  	s19 =	sld [smem:$0x3FDB];
	_ =	sdelay $0x1  }
0x99: {  	s4 =	simm.s32 $_scs_section_size  }
0x9a: {  	s5 =	simm.s32 $_size__tile_overlayer_lowered;
	s6 =	simm.s32 $_tile_overlayer_lowered  }
0x9b: {  	s22 =	simm.s32 $0x1BFF;
	s21 =	sshll.u32 s6, $0x1;
	s3 =	sadd.s32 s4, s19  }
0x9c: {  	s7 =	simm.s32 $0x0;
	s20 =	sshll.u32 s5, $0x1;
	s5 =	sadd.s32 s21, s3  }
0x9d: {  	[timem:s7], [sflag:s22] =	dma.local [hbm:s5], s20  }
0x9e: {  	_ =	swait.ge [sflag:s22], s20  }
0x9f: {  	s4 =	ssub.s32 $0x0, s20;
	[sflag:s22] =	ssyncset.done $0x0  }
0xa0: {  	[sflag:s22] =	ssyncadd.s32 s4;
	_ =	sdelay $0x1  }
0xa1: {  	s23 =	simm.s32 $0x1B8B  }
0xa2: {  	_ =	swait.ge [sflag:s23], $0x1  }
0xa3: {  	[sflag:s23] =	ssyncset.done $0x0  }
0xa4: {  	s25 =	simm.s32 $0x1B8E;
	s24 =	sld [smem:$0x3FFE];
	[sflag:s23] =	ssyncadd.s32 $0xFFFFFFFF  }
0xa5: {  	s26 =	simm.s32 $execute0_lowered;
	[smem:$0x3FD2] =	sst s25  }
0xa6: {  	s5 =	sshll.u32 s26, $0x1;
	_ =	strace $0x8000004C;
	[dreg:$0x1] =	wrdreg $0xFFFFFFFF  }
0xa7: {  	s28 =	simm.s32 $_size_execute0_lowered;
	s3 =	sadd.s32 s3, s5;
	[dreg:$0x0] =	wrdreg $0x0  }
0xa8: {  	s5 =	sshll.u32 s28, $0x1;
	[dreg:$0x2] =	wrdreg s3  }
0xa9: {  	[dreg:$0x3] =	wrdreg s5  }
0xaa: {  	[dreg:$0x4] =	wrdreg $0xC0  }
0xab: {  	_ =	task [dreg:s7], $0x5FFFF  }
0xac: {  	[dreg:$0x1] =	wrdreg $0xFFFFFFFF  }
0xad: {  	[dreg:$0x0] =	wrdreg $0x60  }
0xae: {  	[dreg:$0x2] =	wrdreg s24  }
0xaf: {  	[dreg:$0x3] =	wrdreg s2  }
0xb0: {  	[dreg:$0x4] =	wrdreg $0x0  }
0xb1: {  	[dreg:$0x5] =	wrdreg $0x9  }
0xb2: {  	_ =	task.clear_ibuf [dreg:s7], $0x6FFFF;
	_ =	strace $0x9000004C  }
0xb3: {  	s29 =	simm.s32 $0x9;
	_ =	strace $0x8000004E  }
0xb4: {  	_ =	swait.ge [sflag:s29], $0x1  }
0xb5: {  	[sflag:s29] =	ssyncadd.s32 $0xFFFFFFFF  }
0xb6: {  	_ =	strace $0x9000004E  }
0xb7: {  	_ =	sfence  }
0xb8: {  	s30 =	sld [smem:$0x0];
	_ =	sdelay $0x2  }
0xb9: {  	s31 =	sshll.u32 s1, $0xD;
	s1 =	sshrl.u32 s1, $0x2  }
0xba: {  	s3 =	sand.u32 $0x4000, s31;
	s1 =	sadd.s32 s1, s30  }
0xbb: {  	s0 =	sor.u32 s3, s0;
	s1 =	sshll.u32 s1, $0x11  }
0xbc: {  	s0 =	sor.u32 s1, s0  }
0xbd: {  	s0 =	sadd.s32 $0x8F2B, s0  }
0xbe: {  	[sflag:s0] =	ssyncadd.remote.s32 $0x1  }
0xbf: {  	_ =	sfence.sel $0xFFFF  }
0xc0: {  	[dreg:$0x0] =	wrdreg $0xFFFFFFFF;
	(pc) =	sbr.abs _section_cstart, $3  }
0xc1: {  	[dreg:$0x1] =	wrdreg $0xFFFFFFFF  }
0xc2: {  	_ =	task.clear_ibuf [dreg:s7], $0x2FFFF;
	_ =	strace $0x9FFFFFFF  }
0xc3: {  	(tm) =	ssettm $0x7FFFFFFF  }
tec
execute0_lowered:
.L_overlay_start_1:
0x0: {  	(tag) =	ssettag $0x1  }
0x1: {  	s0 =	rddreg [dreg:$0x0]  }
0x2: {  	s1 =	rddreg [dreg:$0x1]  }
0x3: {  	s2 =	rddreg [dreg:$0x2]  }
0x4: {  	s4 =	srdreg.scid;
	s5 =	stileid.u32  }
0x5: {  	s3 =	simm.s32 $0x0;
	s16 =	simm.s32 $0x14100;
	s17 =	simm.s32 $0x14080  }
0x6: {  	s18 =	simm.s32 $0x14180;
	s20 =	simm.s32 $0x7;
	s28 =	simm.s32 $0x18200  }
0x7: {  	s29 =	simm.s32 $0x5;
	s30 =	simm.s32 $0x6;
	s31 =	simm.s32 $0x0  }
0x8: {  	s6 =	sand.u32 $0x1, s4;
	s7 =	smul.u32 $0x2800, s5;
	[smem:$0x7FF] =	sst s3  }
0x9: {  	s4 =	sadd.s32 $0xA800, s0;
	s13 =	sadd.s32 $0x5B000, s0;
	s9 =	sadd.s32 $0x8000, s0  }
0xa: {  	s14 =	sshll.u32 s5, $0x5;
	s10 =	smul.u32 $0x50000, s5;
	s11 =	sshll.u32 s5, $0x6  }
0xb: {  	s8 =	smul.u32 $0x28000, s6;
	_ =	strace $0x8000004D;
	[dreg:$0x4] =	wrdreg s9  }
0xc: {  	s21 =	ssub.s32 $0x2, s6;
	s15 =	sshll.u32 s6, $0x4;
	s26 =	sadd.s32 s14, s13  }
0xd: {  	s22 =	sshrl.u32 s21, $0x1;
	s23 =	sor.u32 s15, s14;
	s10 =	sshrl.u32 s10, $0x2  }
0xe: {  	s7 =	sadd.s32 s7, s8;
	s12 =	ssub.s32 s21, s22;
	s24 =	sor.u32 $0x200, s23  }
0xf: {  	s25 =	sadd.s32 s1, s23;
	s19 =	sadd.s32 s10, s2;
	s10 =	sor.u32 $0x1C07, s11  }
0x10: {  	s21 =	simm.s32 $0x1;
	s22 =	simm.s32 $0x3;
	s0 =	sadd.s32 s7, s0  }
0x11: {  	[dreg:$0x5] =	wrdreg s25;
	s7 =	sadd.s32 s13, s23;
	s8 =	sadd.s32 s1, s24  }
0x12: {  	s9 =	sadd.s32 s13, s24;
	s12 =	smax.u32 s12, $0x1;
	s1 =	sadd.s32 s14, s1  }
0x13: {  	s13 =	sadd.s32 s15, s26;
	s19 =	sshrl.u32 s19, $0x3;
	s23 =	simm.s32 $0x80  }
0x14: {  	s24 =	simm.s32 $0x14200;
	s25 =	simm.s32 $0x2;
	s26 =	simm.s32 $0x4  }
0x15: {  	s11 =	sadd.s32 $0x60400, s0;
	s14 =	sadd.s32 s15, s1;
	s15 =	simm.s32 $0x14000  }
.LBB2_1:
0x16: {  	s0 =	rddreg [dreg:$0x5]  }
0x17: {  	[tilespmem:s15], [sflag:$0x1] =	stream.linear.gather [hbm4b:s0+s3], $0x80, $0x38;
	[tilespmem:$0x1C200] =	vst v63  }
0x18: {  	_ = 	snop  }
0x19: {  	[tilespmem:s16], [sflag:$0x3] =	stream.linear.gather [hbm4b:s7+s3], $0x80, $0x38;
	[tilespmem:$0x1C200] =	vst v63  }
0x1a: {  	_ = 	snop  }
0x1b: {  	[tilespmem:s17], [sflag:$0x2] =	stream.linear.gather [hbm4b:s8+s3], $0x80, $0x38;
	[tilespmem:$0x1C200] =	vst v63  }
0x1c: {  	s5 =	rddreg [dreg:$0x4]  }
0x1d: {  	[tilespmem:s18], [sflag:$0x4] =	stream.linear.gather [hbm4b:s9+s3], $0x80, $0x38;
	[tilespmem:$0x1C200] =	vst v63  }
0x1e: {  	[spmem:s19], [sflag:s10] =	dma.local [hbm:s5], $0x2800  }
0x1f: {  	_ =	swait.ge [sflag:s20], $0x2800  }
0x20: {  	[sflag:s20] =	ssyncset.done $0x0  }
0x21: {  	[sflag:s20] =	ssyncadd.s32 $0xFFFFD800  }
0x22: {  	[bflag:$0x0] =	sbarrier.arrive $0xFFFF  }
0x23: {  	_ =	swait.ge [sflag:s21], $0x80  }
0x24: {  	[sflag:s21] =	ssyncset.done $0x0  }
0x25: {  	[sflag:s21] =	ssyncadd.s32 $0xFFFFFF80  }
0x26: {  	_ =	swait.ge [sflag:s22], $0x80  }
0x27: {  	[sflag:s22] =	ssyncset.done $0x0  }
0x28: {  	[sflag:s22] =	ssyncadd.s32 $0xFFFFFF80  }
0x29: {  	[tilespmem:s24], [sflag:$0x5] =	stream.indirect.gather [hbm4b:s4+s23], $0x80, s15, s23, $0xb8;
	[tilespmem:$0x1C200] =	vst v63  }
0x2a: {  	_ =	swait.ge [sflag:s25], $0x80  }
0x2b: {  	[sflag:s25] =	ssyncset.done $0x0  }
0x2c: {  	[sflag:s25] =	ssyncadd.s32 $0xFFFFFF80  }
0x2d: {  	_ =	swait.ge [sflag:s26], $0x80  }
0x2e: {  	[sflag:s26] =	ssyncset.done $0x0  }
0x2f: {  	[sflag:s26] =	ssyncadd.s32 $0xFFFFFF80  }
0x30: {  	[tilespmem:s28], [sflag:$0x6] =	stream.indirect.gather [hbm4b:s4+s23], $0x80, s17, s23, $0xb8;
	[tilespmem:$0x1C200] =	vst v63  }
0x31: {  	_ =	swait.ge [sflag:s29], $0x4000  }
0x32: {  	[sflag:s29] =	ssyncset.done $0x0  }
0x33: {  	[sflag:s29] =	ssyncadd.s32 $0xFFFFC000  }
0x34: {  	[spmem:s2] =	stream.indirect.scatter.add.f32 [tilespmem:s24], [sflag:$0x7], $0x80, s16, s23, $0xb8;
	[tilespmem:$0x1C200] =	vst v63  }
0x35: {  	_ =	swait.ge [sflag:s20], $0x4000  }
0x36: {  	s0 =	sadd.s32 $0x0, s14;
	[sflag:s20] =	ssyncset.done $0x0  }
0x37: {  	s1 =	sadd.s32 $0x400, s0;
	s5 =	sadd.s32 $0x0, s13;
	[sflag:s20] =	ssyncadd.s32 $0xFFFFC000  }
0x38: {  	[tilespmem:s15], [sflag:$0x1] =	stream.linear.gather [hbm4b:s1+s3], $0x80, $0x38;
	[tilespmem:$0x1C200] =	vst v63  }
0x39: {  	s6 =	sadd.s32 $0x400, s5  }
0x3a: {  	[tilespmem:s16], [sflag:$0x3] =	stream.linear.gather [hbm4b:s6+s3], $0x80, $0x38;
	[tilespmem:$0x1C200] =	vst v63  }
0x3b: {  	_ =	swait.ge [sflag:s30], $0x4000  }
0x3c: {  	[sflag:s30] =	ssyncset.done $0x0  }
0x3d: {  	[sflag:s30] =	ssyncadd.s32 $0xFFFFC000  }
0x3e: {  	[spmem:s2] =	stream.indirect.scatter.add.f32 [tilespmem:s28], [sflag:$0x7], $0x80, s18, s23, $0xb8;
	[tilespmem:$0x1C200] =	vst v63  }
0x3f: {  	_ =	swait.ge [sflag:s20], $0x4000  }
0x40: {  	[sflag:s20] =	ssyncset.done $0x0  }
0x41: {  	s0 =	sadd.s32 $0x600, s0;
	[sflag:s20] =	ssyncadd.s32 $0xFFFFC000  }
0x42: {  	[tilespmem:s17], [sflag:$0x2] =	stream.linear.gather [hbm4b:s0+s3], $0x80, $0x38;
	[tilespmem:$0x1C200] =	vst v63  }
0x43: {  	s1 =	sadd.s32 $0x600, s5;
	s0 =	simm.s32 $0x400  }
.LBB2_2:
0x44: {  	[tilespmem:s18], [sflag:$0x4] =	stream.linear.gather [hbm4b:s1+s3], $0x80, $0x38;
	[tilespmem:$0x1C200] =	vst v63  }
0x45: {  	s1 =	smov.u32 s0  }
0x46: {  	p0 =	sne.s32 s0, $0x4C00;
	s0 =	sadd.s32 $0x400, s0;
	_ =	swait.ge [sflag:s21], $0x80  }
0x47: {  	[sflag:s21] =	ssyncset.done $0x0  }
0x48: {  	[sflag:s21] =	ssyncadd.s32 $0xFFFFFF80  }
0x49: {  	_ =	swait.ge [sflag:s22], $0x80  }
0x4a: {  	[sflag:s22] =	ssyncset.done $0x0  }
0x4b: {  	[sflag:s22] =	ssyncadd.s32 $0xFFFFFF80  }
0x4c: {  	[tilespmem:s24], [sflag:$0x5] =	stream.indirect.gather [hbm4b:s4+s23], $0x80, s15, s23, $0xb8;
	[tilespmem:$0x1C200] =	vst v63  }
0x4d: {  	_ =	swait.ge [sflag:s25], $0x80  }
0x4e: {  	[sflag:s25] =	ssyncset.done $0x0  }
0x4f: {  	[sflag:s25] =	ssyncadd.s32 $0xFFFFFF80  }
0x50: {  	_ =	swait.ge [sflag:s26], $0x80  }
0x51: {  	[sflag:s26] =	ssyncset.done $0x0  }
0x52: {  	[sflag:s26] =	ssyncadd.s32 $0xFFFFFF80  }
0x53: {  	[tilespmem:s28], [sflag:$0x6] =	stream.indirect.gather [hbm4b:s4+s23], $0x80, s17, s23, $0xb8;
	[tilespmem:$0x1C200] =	vst v63  }
0x54: {  	_ =	swait.ge [sflag:s29], $0x4000  }
0x55: {  	[sflag:s29] =	ssyncset.done $0x0  }
0x56: {  	[sflag:s29] =	ssyncadd.s32 $0xFFFFC000  }
0x57: {  	[spmem:s2] =	stream.indirect.scatter.add.f32 [tilespmem:s24], [sflag:$0x7], $0x80, s16, s23, $0xb8;
	[tilespmem:$0x1C200] =	vst v63  }
0x58: {  	_ =	swait.ge [sflag:s20], $0x4000  }
0x59: {  	s5 =	sadd.s32 s1, s14;
	[sflag:s20] =	ssyncset.done $0x0  }
0x5a: {  	s1 =	sadd.s32 s1, s13;
	s6 =	sadd.s32 $0x400, s5;
	[sflag:s20] =	ssyncadd.s32 $0xFFFFC000  }
0x5b: {  	[tilespmem:s15], [sflag:$0x1] =	stream.linear.gather [hbm4b:s6+s3], $0x80, $0x38;
	[tilespmem:$0x1C200] =	vst v63  }
0x5c: {  	s6 =	sadd.s32 $0x400, s1  }
0x5d: {  	[tilespmem:s16], [sflag:$0x3] =	stream.linear.gather [hbm4b:s6+s3], $0x80, $0x38;
	[tilespmem:$0x1C200] =	vst v63  }
0x5e: {  	_ =	swait.ge [sflag:s30], $0x4000  }
0x5f: {  	[sflag:s30] =	ssyncset.done $0x0  }
0x60: {  	[sflag:s30] =	ssyncadd.s32 $0xFFFFC000  }
0x61: {  	[spmem:s2] =	stream.indirect.scatter.add.f32 [tilespmem:s28], [sflag:$0x7], $0x80, s18, s23, $0xb8;
	[tilespmem:$0x1C200] =	vst v63  }
.Ltmp0:
0x62: {  	_ =	swait.ge [sflag:s20], $0x4000;
	(pc) =	sbr.rel @p0 .LBB2_2-.Ltmp0, $4  }
0x63: {  	[sflag:s20] =	ssyncset.done $0x0  }
0x64: {  	s5 =	sadd.s32 $0x600, s5;
	[sflag:s20] =	ssyncadd.s32 $0xFFFFC000  }
0x65: {  	[tilespmem:s17], [sflag:$0x2] =	stream.linear.gather [hbm4b:s5+s3], $0x80, $0x38;
	[tilespmem:$0x1C200] =	vst v63  }
0x66: {  	s1 =	sadd.s32 $0x600, s1  }
0x67: {  	[tilespmem:s18], [sflag:$0x4] =	stream.linear.gather [hbm4b:s1+s3], $0x80, $0x38;
	[tilespmem:$0x1C200] =	vst v63  }
0x68: {  	_ =	swait.ge [sflag:s21], $0x80  }
0x69: {  	[sflag:s21] =	ssyncset.done $0x0  }
0x6a: {  	[sflag:s21] =	ssyncadd.s32 $0xFFFFFF80  }
0x6b: {  	_ =	swait.ge [sflag:s22], $0x80  }
0x6c: {  	[sflag:s22] =	ssyncset.done $0x0  }
0x6d: {  	[sflag:s22] =	ssyncadd.s32 $0xFFFFFF80  }
0x6e: {  	_ =	swait.ge [sflag:s25], $0x80  }
0x6f: {  	[sflag:s25] =	ssyncset.done $0x0  }
0x70: {  	[sflag:s25] =	ssyncadd.s32 $0xFFFFFF80  }
0x71: {  	_ =	swait.ge [sflag:s26], $0x80  }
0x72: {  	s31 =	sadd.s32 $0x1, s31;
	[sflag:s26] =	ssyncset.done $0x0  }
0x73: {  	p0 =	sne.s32 s31, s12;
	[sflag:s26] =	ssyncadd.s32 $0xFFFFFF80  }
.Ltmp1:
0x74: {  	[bflag:$0x0] =	sbarrier.arrive $0xFFFF;
	(pc) =	sbr.rel @p0 .LBB2_1-.Ltmp1, $4  }
0x75: {  	[hbm:s11], [sflag:s10] =	dma.local [spmem:s19], $0x2800  }
0x76: {  	_ =	swait.ge [sflag:s20], $0x2800  }
0x77: {  	[sflag:s20] =	ssyncset.done $0x0  }
0x78: {  	[sflag:s20] =	ssyncadd.s32 $0xFFFFD800  }
0x79: {  	_ =	sfence.sel $0x180000  }
0x7a: {  	[bflag:$0x0] =	sbarrier.arrive $0xFFFF  }
0x7b: {  	_ =	strace $0x9000004D  }
0x7c: {  	s0 =	stileid.u32;
	[bflag:$0x2] =	sbarrier.arrive $0xFFFF  }
0x7d: {  	p0 =	sne.s32 s0, $0x0;
	s0 =	rddreg [dreg:$0x3]  }
0x7e: {  	s0 =	sadd.s32 @!p0 $0x100000, s0  }
0x7f: {  	[sflag:s0] =	ssyncadd.tile.s32 @!p0 $0x1;
	_ =	shalt  }
.Lfunc_end2:
_tile_overlayer_lowered:
.L_overlay_start_2:
0x80: {  	(tag) =	ssettag $0x2  }
0x81: {  	s0 =	rddreg [dreg:$0x0];
	s2 =	stileid.u32  }
0x82: {  	s1 =	rddreg [dreg:$0x1];
	p0 =	sne.s32 s2, $0x0  }
0x83: {  	s3 =	rddreg [dreg:$0x2];
	[bflag:$0x3] =	sbarrier.arrive $0xFFFF;
	s2 =	simm.s32 @!p0 $0x1C07  }
0x84: {  	[timem:s3], [sflag:s2] =	dma.local @!p0 [hbm:s0], s1  }
0x85: {  	s0 =	simm.s32 @!p0 $0x7  }
0x86: {  	_ =	swait.ge @!p0 [sflag:s0], s1  }
0x87: {  	s1 =	ssub.s32 @!p0 $0x0, s1;
	[sflag:s0] =	ssyncset.done @!p0 $0x0  }
0x88: {  	[sflag:s0] =	ssyncadd.s32 @!p0 s1  }
0x89: {  	[bflag:$0x3] =	sbarrier.arrive $0xFFFF  }
0x8a: {  	_ =	shalt  }

// kernel: kernel.8.cloned.1.call-start
scs
__scs_entry_jumppad:
0x0: {  	(pc) =	sbr.rel $0x88, $3  }
0x1: {  	(tag) =	ssettag $0x0;
	lr =	simm.s32 $0x1  }
0x2: {  	[smem:$0x3F95] =	sst lr;
	_ =	strace $0xD0000000  }
0x3: {  	_ = 	snop  }
0x4: {  	_ = 	snop  }
0x5: {  	_ = 	snop  }
0x6: {  	_ = 	snop  }
0x7: {  	_ = 	snop  }
__scs_overlays_trampoline_lowered:
0x8: {  	[smem:$0x3FA4] =	sst s0  }
0x9: {  	[smem:$0x3FA5] =	sst s1  }
0xa: {  	[smem:$0x3FA6] =	sst s2  }
0xb: {  	[smem:$0x3FA7] =	sst s3  }
0xc: {  	[smem:$0x3FA8] =	sst s4  }
0xd: {  	[smem:$0x3FA9] =	sst s5  }
0xe: {  	[smem:$0x3FAA] =	sst s6  }
0xf: {  	[smem:$0x3FAB] =	sst s7  }
0x10: {  	[smem:$0x3FAC] =	sst s8  }
0x11: {  	[smem:$0x3FAD] =	sst s9;
	s0 =	simm.s32 @!p0 $0x0  }
0x12: {  	s1 =	sld [smem:$0x3F93];
	s0 =	simm.s32 @p0 $0x1  }
0x13: {  	[smem:$0x3FAE] =	sst s0;
	s0 =	simm.s32 @!p1 $0x0  }
0x14: {  	s2 =	sld [smem:$0x3F92];
	s0 =	simm.s32 @p1 $0x1  }
0x15: {  	[smem:$0x3FAF] =	sst s0;
	s0 =	simm.s32 @!p2 $0x0  }
0x16: {  	s3 =	sld [smem:$0x3FDB];
	s0 =	simm.s32 @p2 $0x1  }
0x17: {  	s4 =	simm.s32 $0x1BF5;
	[smem:$0x3FB1] =	sst s0  }
0x18: {  	s0 =	sld [smem:$0x3F94];
	_ =	swait.ge [sflag:s4], $0x0  }
0x19: {  	s7 =	sld [smem:$0x3F95]  }
0x1a: {  	s8 =	sadd.s32 $0xFFFFE003, lr  }
0x1b: {  	s9 =	sadd.s32 $0xFFFFFEF7, lr;
	s5 =	simm.s32 $0xFFFFFFFF;
	p2 =	slt.u32 s8, $0xFFFFF086  }
0x1c: {  	p1 =	slt.u32 s9, $0xF7A;
	s5 =	simm.s32 @!p2 $0x0  }
0x1d: {  	s5 =	simm.s32 @p1 $0x1;
	p0 =	seq.s32 s7, s2  }
0x1e: {  	s7 =	smul.u32 @!p0 $0xF7A, s2;
	p2 =	seq.s32 @!p0 s5, $0x0  }
0x1f: {  	s9 =	smul.u32 $0xF7A, s1;
	s8 =	simm.s32 @!p0 $0x1BF5;
	p2 =	por !p2, p0  }
0x20: {  	[sflag:s8] =	ssyncset.s32 @!p0 $0xFFFFF086;
	s6 =	sadd.s32 @!p0 s3, s7;
	s7 =	simm.s32 @!p0 $0x108  }
0x21: {  	s3 =	sadd.s32 s3, s9;
	s6 =	sadd.s32 @!p0 $0x88, s6;
	s7 =	simm.s32 @p2 $0x1082  }
0x22: {  	[simem:s7], [sflag:s8] =	dma.local @!p0 [hbm:s6], $0xF7A  }
0x23: {  	s9 =	sor.u32 $0xD0000000, s2;
	s6 =	simm.s32 $0x108;
	_ =	swait.ge @!p0 [sflag:s8], $0x0  }
0x24: {  	s3 =	sadd.s32 $0x88, s3;
	s6 =	simm.s32 @!p1 $0x1082;
	[sflag:s4] =	ssyncset.s32 $0xFFFFF086  }
0x25: {  	[simem:s6], [sflag:s4] =	dma.local [hbm:s3], $0xF7A  }
0x26: {  	[smem:$0x3F95] =	sst s1;
	(tag) =	ssettag s2;
	_ =	strace s9  }
0x27: {  	s1 =	sld [smem:$0x3FA5]  }
0x28: {  	s2 =	sld [smem:$0x3FA6]  }
0x29: {  	s4 =	sld [smem:$0x3FA8]  }
0x2a: {  	p0 =	seq.s32 s5, $0x0;
	s5 =	sld [smem:$0x3FA9]  }
0x2b: {  	s6 =	sld [smem:$0x3FAA]  }
0x2c: {  	s7 =	sld [smem:$0x3FAB]  }
0x2d: {  	s3 =	simm.s32 $0x108;
	s8 =	sld [smem:$0x3FAC]  }
0x2e: {  	s3 =	simm.s32 @!p0 $0x1082;
	s9 =	sld [smem:$0x3FAD]  }
0x2f: {  	lr =	sadd.s32 s0, s3;
	s0 =	sld [smem:$0x3FA4]  }
0x30: {  	s3 =	sld [smem:$0x3FA7]  }
0x31: {  	[smem:$0x3FB0] =	sst s10  }
0x32: {  	s10 =	sld [smem:$0x3FAE];
	_ =	sdelay $0x3  }
0x33: {  	p0 =	seq.s32 s10, $0x1;
	s10 =	sld [smem:$0x3FB0];
	_ =	sdelay $0x3  }
0x34: {  	[smem:$0x3FB0] =	sst s10  }
0x35: {  	s10 =	sld [smem:$0x3FAF];
	_ =	sdelay $0x3  }
0x36: {  	p1 =	seq.s32 s10, $0x1;
	s10 =	sld [smem:$0x3FB0];
	_ =	sdelay $0x3  }
0x37: {  	[smem:$0x3FB0] =	sst s10  }
0x38: {  	s10 =	sld [smem:$0x3FB1]  }
0x39: {  	_ = 	snop;
	(pc) =	sbr.ind lr, $3  }
0x3a: {  	_ = 	snop  }
0x3b: {  	_ = 	snop  }
0x3c: {  	p2 =	seq.s32 s10, $0x1;
	s10 =	sld [smem:$0x3FB0]  }
0x3d: {  	_ =	shalt  }
0x3e: {  	_ =	shalt  }
0x3f: {  	_ =	shalt  }
0x40: {  	_ =	shalt  }
0x41: {  	_ =	shalt  }
0x42: {  	_ =	shalt  }
0x43: {  	_ =	shalt  }
0x44: {  	_ =	shalt  }
0x45: {  	_ =	shalt  }
0x46: {  	_ =	shalt  }
0x47: {  	_ =	shalt  }
0x48: {  	_ =	shalt  }
0x49: {  	_ =	shalt  }
0x4a: {  	_ =	shalt  }
0x4b: {  	_ =	shalt  }
0x4c: {  	_ =	shalt  }
0x4d: {  	_ =	shalt  }
0x4e: {  	_ =	shalt  }
0x4f: {  	_ =	shalt  }
0x50: {  	_ =	shalt  }
0x51: {  	_ =	shalt  }
0x52: {  	_ =	shalt  }
0x53: {  	_ =	shalt  }
0x54: {  	_ =	shalt  }
0x55: {  	_ =	shalt  }
0x56: {  	_ =	shalt  }
0x57: {  	_ =	shalt  }
0x58: {  	_ =	shalt  }
0x59: {  	_ =	shalt  }
0x5a: {  	_ =	shalt  }
0x5b: {  	_ =	shalt  }
0x5c: {  	_ =	shalt  }
0x5d: {  	_ =	shalt  }
0x5e: {  	_ =	shalt  }
0x5f: {  	_ =	shalt  }
0x60: {  	_ =	shalt  }
0x61: {  	_ =	shalt  }
0x62: {  	_ =	shalt  }
0x63: {  	_ =	shalt  }
0x64: {  	_ =	shalt  }
0x65: {  	_ =	shalt  }
0x66: {  	_ =	shalt  }
0x67: {  	_ =	shalt  }
0x68: {  	_ =	shalt  }
0x69: {  	_ =	shalt  }
0x6a: {  	_ =	shalt  }
0x6b: {  	_ =	shalt  }
0x6c: {  	_ =	shalt  }
0x6d: {  	_ =	shalt  }
0x6e: {  	_ =	shalt  }
0x6f: {  	_ =	shalt  }
0x70: {  	_ =	shalt  }
0x71: {  	_ =	shalt  }
0x72: {  	_ =	shalt  }
0x73: {  	_ =	shalt  }
0x74: {  	_ =	shalt  }
0x75: {  	_ =	shalt  }
0x76: {  	_ =	shalt  }
0x77: {  	_ =	shalt  }
0x78: {  	_ =	shalt  }
0x79: {  	_ =	shalt  }
0x7a: {  	_ =	shalt  }
0x7b: {  	_ =	shalt  }
0x7c: {  	_ =	shalt  }
0x7d: {  	_ =	shalt  }
0x7e: {  	_ =	shalt  }
0x7f: {  	_ =	shalt  }
0x80: {  	_ =	shalt  }
0x81: {  	_ =	shalt  }
0x82: {  	_ =	shalt  }
0x83: {  	_ =	shalt  }
0x84: {  	_ =	shalt  }
0x85: {  	_ =	shalt  }
0x86: {  	_ =	shalt  }
0x87: {  	_ =	shalt  }
.Lfunc_end0:
.L_simem_size_0:
called_computation_lowered:
.L_overlay_start_0:
0x88: {  	s2 =	sld [smem:$0x3FD9]  }
0x89: {  	s3 =	sld [smem:$0x3FFE];
	_ =	sdelay $0x1  }
0x8a: {  	s1 =	srdreg.scid  }
0x8b: {  	s0 =	sand.u32 $0x1, s1  }
0x8c: {  	s16 =	sshll.u32 s0, $0xA;
	s2 =	sadd.s32 s3, s2  }
0x8d: {  	s2 =	sadd.s32 s2, s16  }
0x8e: {  	[smem:$0x3FBC] =	sst s2  }
0x8f: {  	_ = 	snop  }
0x90: {  	(tm) =	ssettm $0x1  }
0x91: {  	s17 =	sld [smem:$0x3FFB];
	_ =	sdelay $0x3  }
0x92: {  	_ =	strace s17  }
0x93: {  	s2 =	sld [smem:$0x3FFC];
	_ =	sdelay $0x3  }
0x94: {  	_ =	strace s2  }
0x95: {  	s2 =	sld [smem:$0x3FFD];
	_ =	sdelay $0x3  }
0x96: {  	_ =	strace s2  }
0x97: {  	_ =	strace $0x8FFFFFFF  }
0x98: {  	s18 =	sld [smem:$0x3FDB];
	_ =	sdelay $0x1  }
0x99: {  	s19 =	simm.s32 $_scs_section_size  }
0x9a: {  	s4 =	simm.s32 $_size__tile_overlayer_lowered;
	s5 =	simm.s32 $_tile_overlayer_lowered  }
0x9b: {  	s22 =	simm.s32 $0x1BFF;
	s21 =	sshll.u32 s5, $0x1;
	s2 =	sadd.s32 s19, s18  }
0x9c: {  	s6 =	simm.s32 $0x0;
	s20 =	sshll.u32 s4, $0x1;
	s4 =	sadd.s32 s21, s2  }
0x9d: {  	[timem:s6], [sflag:s22] =	dma.local [hbm:s4], s20  }
0x9e: {  	_ =	swait.ge [sflag:s22], s20  }
0x9f: {  	s3 =	ssub.s32 $0x0, s20;
	[sflag:s22] =	ssyncset.done $0x0  }
0xa0: {  	[sflag:s22] =	ssyncadd.s32 s3;
	_ =	sdelay $0x1  }
0xa1: {  	s23 =	simm.s32 $0x1B8B  }
0xa2: {  	_ =	swait.ge [sflag:s23], $0x1  }
0xa3: {  	[sflag:s23] =	ssyncset.done $0x0  }
0xa4: {  	s25 =	simm.s32 $0x1B8E;
	s24 =	sld [smem:$0x3FFE];
	[sflag:s23] =	ssyncadd.s32 $0xFFFFFFFF  }
0xa5: {  	s26 =	simm.s32 $execute0_lowered;
	[smem:$0x3FD2] =	sst s25  }
0xa6: {  	s4 =	sshll.u32 s26, $0x1;
	_ =	strace $0x80000046;
	[dreg:$0x1] =	wrdreg $0xFFFFFFFF  }
0xa7: {  	s28 =	simm.s32 $_size_execute0_lowered;
	s2 =	sadd.s32 s2, s4;
	[dreg:$0x0] =	wrdreg $0x0  }
0xa8: {  	s4 =	sshll.u32 s28, $0x1;
	[dreg:$0x2] =	wrdreg s2  }
0xa9: {  	[dreg:$0x3] =	wrdreg s4  }
0xaa: {  	[dreg:$0x4] =	wrdreg $0xC0  }
0xab: {  	_ =	task [dreg:s6], $0x5FFFF  }
0xac: {  	[dreg:$0x1] =	wrdreg $0xFFFFFFFF  }
0xad: {  	[dreg:$0x0] =	wrdreg $0x60  }
0xae: {  	[dreg:$0x2] =	wrdreg s24  }
0xaf: {  	[dreg:$0x3] =	wrdreg $0x0  }
0xb0: {  	[dreg:$0x4] =	wrdreg $0x9  }
0xb1: {  	_ =	task.clear_ibuf [dreg:s6], $0x5FFFF;
	_ =	strace $0x90000046  }
0xb2: {  	s29 =	simm.s32 $0x9;
	_ =	strace $0x80000048  }
0xb3: {  	_ =	swait.ge [sflag:s29], $0x1  }
0xb4: {  	[sflag:s29] =	ssyncadd.s32 $0xFFFFFFFF  }
0xb5: {  	_ =	strace $0x90000048  }
0xb6: {  	_ =	sfence  }
0xb7: {  	s30 =	sld [smem:$0x0];
	_ =	sdelay $0x2  }
0xb8: {  	s31 =	sshll.u32 s1, $0xD;
	s1 =	sshrl.u32 s1, $0x2  }
0xb9: {  	s3 =	sand.u32 $0x4000, s31;
	s1 =	sadd.s32 s1, s30  }
0xba: {  	s0 =	sor.u32 s3, s0;
	s1 =	sshll.u32 s1, $0x11  }
0xbb: {  	s0 =	sor.u32 s1, s0  }
0xbc: {  	s0 =	sadd.s32 $0x8F2B, s0  }
0xbd: {  	[sflag:s0] =	ssyncadd.remote.s32 $0x1  }
0xbe: {  	_ =	sfence.sel $0xFFFF  }
0xbf: {  	[dreg:$0x0] =	wrdreg $0xFFFFFFFF;
	(pc) =	sbr.abs _section_cstart, $3  }
0xc0: {  	[dreg:$0x1] =	wrdreg $0xFFFFFFFF  }
0xc1: {  	_ =	task.clear_ibuf [dreg:s6], $0x2FFFF;
	_ =	strace $0x9FFFFFFF  }
0xc2: {  	(tm) =	ssettm $0x7FFFFFFF  }
0xc3: {  	_ =	shalt  }
tec
execute0_lowered:
.L_overlay_start_1:
0x0: {  	(tag) =	ssettag $0x1  }
0x1: {  	s1 =	srdreg.scid  }
0x2: {  	s0 =	stileid.u32;
	s6 =	rddreg [dreg:$0x0]  }
0x3: {  	s2 =	rddreg [dreg:$0x1];
	s3 =	simm.s32 $0x0;
	s13 =	simm.s32 $0x15400  }
0x4: {  	s14 =	simm.s32 $0x80;
	s15 =	simm.s32 $0x0;
	s5 =	sand.u32 $0x1, s1  }
0x5: {  	s28 =	sshll.u32 s0, $0x1;
	s1 =	rddreg [dreg:$0x2];
	s7 =	smul.u32 $0x2800, s0  }
0x6: {  	[smem:$0x7FF] =	sst s3;
	s11 =	smul.u32 $0x50000, s0;
	s31 =	sshll.u32 s0, $0x6  }
0x7: {  	s4 =	sor.u32 s5, s28;
	_ =	strace $0x80000047;
	s9 =	smul.u32 $0x28000, s5  }
0x8: {  	s10 =	ssub.s32 $0x2, s5;
	s5 =	sadd.s32 $0xA800, s6;
	s4 =	smul.u32 $0x280, s4  }
0x9: {  	s29 =	sshrl.u32 s10, $0x1;
	s30 =	sshrl.u32 s11, $0x2;
	s11 =	sor.u32 $0x1C01, s31  }
0xa: {  	s7 =	sadd.s32 s7, s9;
	s9 =	ssub.s32 s10, s29;
	s12 =	sadd.s32 s30, s2  }
0xb: {  	s10 =	simm.s32 $0x1;
	s8 =	sadd.s32 s4, s6;
	s4 =	sadd.s32 $0x8000, s6  }
0xc: {  	s7 =	sadd.s32 s7, s6;
	s12 =	sshrl.u32 s12, $0x3;
	s6 =	sadd.s32 $0x3000, s8  }
0xd: {  	s7 =	sadd.s32 $0xB000, s7;
	s8 =	smax.u32 s9, $0x1;
	s9 =	simm.s32 $0x14000  }
.LBB2_1:
0xe: {  	[tilespmem:s9], [sflag:$0x1] =	stream.linear.gather [hbm4b:s6+s3], $0x1400, $0x38;
	[tilespmem:$0x19400] =	vst v63  }
0xf: {  	_ =	swait.ge [sflag:s10], $0x1400  }
0x10: {  	[sflag:s10] =	ssyncset.done $0x0  }
0x11: {  	[sflag:s10] =	ssyncadd.s32 $0xFFFFEC00  }
0x12: {  	[spmem:s12], [sflag:s11] =	dma.local [hbm:s4], $0x2800  }
0x13: {  	_ =	swait.ge [sflag:s10], $0x2800  }
0x14: {  	[sflag:s10] =	ssyncset.done $0x0  }
0x15: {  	[sflag:s10] =	ssyncadd.s32 $0xFFFFD800  }
0x16: {  	[tilespmem:s13], [sflag:$0x1] =	stream.linear.gather [hbm4b:s5+s3], $0x4000, $0x38;
	[tilespmem:$0x19400] =	vst v63  }
0x17: {  	_ =	swait.ge [sflag:s10], $0x4000  }
0x18: {  	[sflag:s10] =	ssyncset.done $0x0  }
0x19: {  	[sflag:s10] =	ssyncadd.s32 $0xFFFFC000  }
0x1a: {  	s16 =	simm.s32 $0x14000;
	[bflag:$0x0] =	sbarrier.arrive $0xFFFF  }
0x1b: {  	[spmem:s2] =	stream.indirect.scatter.add.f32 [tilespmem:s13], [sflag:$0x1], $0x80, s16, s14, $0xb8;
	[tilespmem:$0x19400] =	vst v63  }
0x1c: {  	s16 =	simm.s32 $0x200;
	_ =	swait.ge [sflag:s10], $0x4000  }
.LBB2_2:
0x1d: {  	s17 =	sshra.s32 s16, $0x2;
	[sflag:s10] =	ssyncset.done $0x0;
	p0 =	sne.s32 s16, $0x4E00  }
.Ltmp0:
0x1e: {  	s17 =	sadd.s32 $0x14000, s17;
	[sflag:s10] =	ssyncadd.s32 $0xFFFFC000;
	(pc) =	sbr.rel @p0 .LBB2_2-.Ltmp0, $3  }
0x1f: {  	[spmem:s2] =	stream.indirect.scatter.add.f32 [tilespmem:s13], [sflag:$0x1], $0x80, s17, s14, $0xb8;
	[tilespmem:$0x19400] =	vst v63  }
0x20: {  	s16 =	sadd.s32 $0x200, s16;
	_ =	sdelay $0x1  }
0x21: {  	_ =	swait.ge [sflag:s10], $0x4000  }
0x22: {  	[sflag:s10] =	ssyncset.done $0x0;
	s15 =	sadd.s32 $0x1, s15  }
0x23: {  	[sflag:s10] =	ssyncadd.s32 $0xFFFFC000;
	p0 =	sne.s32 s15, s8  }
.Ltmp1:
0x24: {  	[bflag:$0x0] =	sbarrier.arrive $0xFFFF;
	(pc) =	sbr.rel @p0 .LBB2_1-.Ltmp1, $4  }
0x25: {  	[hbm:s7], [sflag:s11] =	dma.local [spmem:s12], $0x2800  }
0x26: {  	_ =	swait.ge [sflag:s10], $0x2800  }
0x27: {  	[sflag:s10] =	ssyncset.done $0x0  }
0x28: {  	[sflag:s10] =	ssyncadd.s32 $0xFFFFD800  }
0x29: {  	_ =	sfence.sel $0x180000  }
0x2a: {  	[bflag:$0x0] =	sbarrier.arrive $0xFFFF  }
0x2b: {  	p0 =	sne.s32 s0, $0x0;
	_ =	strace $0x90000047  }
0x2c: {  	s0 =	sadd.s32 @!p0 $0x100000, s1;
	[bflag:$0x2] =	sbarrier.arrive $0xFFFF  }
0x2d: {  	[sflag:s0] =	ssyncadd.tile.s32 @!p0 $0x1;
	_ =	shalt  }
.Lfunc_end2:
_tile_overlayer_lowered:
.L_overlay_start_2:
0x2e: {  	(tag) =	ssettag $0x2  }
0x2f: {  	s0 =	rddreg [dreg:$0x0];
	s2 =	stileid.u32  }
0x30: {  	s1 =	rddreg [dreg:$0x1];
	p0 =	sne.s32 s2, $0x0  }
0x31: {  	s3 =	rddreg [dreg:$0x2];
	[bflag:$0x3] =	sbarrier.arrive $0xFFFF;
	s2 =	simm.s32 @!p0 $0x1C01  }
0x32: {  	[timem:s3], [sflag:s2] =	dma.local @!p0 [hbm:s0], s1  }
0x33: {  	s0 =	simm.s32 @!p0 $0x1  }
0x34: {  	_ =	swait.ge @!p0 [sflag:s0], s1  }
0x35: {  	s1 =	ssub.s32 @!p0 $0x0, s1;
	[sflag:s0] =	ssyncset.done @!p0 $0x0  }
0x36: {  	[sflag:s0] =	ssyncadd.s32 @!p0 s1  }
0x37: {  	[bflag:$0x3] =	sbarrier.arrive $0xFFFF  }
0x38: {  	_ =	shalt  }

</sc_bundles>
